<compile_context>
chip_gen: v7x
topology: tpu7x:2x2x1
jax: 0.10.2.dev20260603
libtpu: 0.0.44.dev20260713+nightly
codegen_flags: <defaults>
</compile_context>

<pallas_src>
import jax
import jax.numpy as jnp
from jax import lax
from jax.experimental import pallas as pl
from jax.experimental.pallas import tpu as pltpu
from jax.experimental.pallas import tpu_sc as plsc

N = 10000
NPAD = 10112
RPT = NPAD // 16
E = 320000
CH = 128
WCH = 20
NWIN = 4
NCHD = NWIN * WCH
EPAD = 32 * NCHD * CH
NC, NS = 2, 16
BR = 1000


def _mesh():
    return plsc.VectorSubcoreMesh(
        core_axis_name="c", subcore_axis_name="s",
        num_cores=NC, num_subcores=NS)


def _deg_body(dst_hbm, ones_hbm, deg_out, dst_v, ones_v, zstage, sem, acc):
    c = lax.axis_index("c")
    s = lax.axis_index("s")
    wid = s * NC + c
    r0 = s * RPT
    zero16 = jnp.zeros((16,), jnp.float32)

    def zb(g, _):
        for k in range(8):
            zstage[g, pl.ds(k * 16, 16)] = zero16
        return 0
    lax.fori_loop(0, CH, zb, 0)
    for part in range(RPT // CH):
        pltpu.sync_copy(zstage, acc.at[pl.ds(r0 + part * CH, CH)])
    pltpu.sync_copy(
        zstage.at[pl.ds(0, RPT - (RPT // CH) * CH)],
        acc.at[pl.ds(r0 + (RPT // CH) * CH, RPT - (RPT // CH) * CH)])
    pltpu.sync_copy(ones_hbm, ones_v)
    pltpu.sync_copy(dst_hbm.at[wid], dst_v)
    plsc.subcore_barrier()

    def body(j, _):
        pltpu.async_copy(ones_v, acc.at[dst_v.at[j]], sem, add=True)
        return 0
    lax.fori_loop(0, NCHD, body, 0)

    def drain(j, _):
        pltpu.make_async_copy(ones_v, acc.at[dst_v.at[j]], sem).wait()
        return 0
    lax.fori_loop(0, NCHD, drain, 0)

    plsc.subcore_barrier()
    pltpu.sync_copy(acc.at[pl.ds(r0, RPT)], deg_out.at[c, pl.ds(r0, RPT)])


def _deg_call(dst32, ones_hbm):
    return pl.kernel(
        _deg_body,
        out_type=jax.ShapeDtypeStruct((NC, NPAD, 128), jnp.float32),
        mesh=_mesh(),
        scratch_types=[
            pltpu.VMEM((NCHD, CH), jnp.int32),
            pltpu.VMEM((CH, 128), jnp.float32),
            pltpu.VMEM((CH, 128), jnp.float32),
            pltpu.SemaphoreType.DMA,
            pltpu.VMEM_SHARED((NPAD, 128), jnp.float32),
        ],
    )(dst32, ones_hbm)


def _spmm_body(zp_hbm, idx_hbm, aout, idx_v, buf, isem, sem, acc):
    c = lax.axis_index("c")
    s = lax.axis_index("s")
    wid = s * NC + c
    r0 = s * RPT
    pltpu.async_copy(idx_hbm.at[wid, 0], idx_v.at[0], isem)

    @pl.when(c == 0)
    def _init_selfloop():
        pltpu.sync_copy(zp_hbm.at[pl.ds(r0, RPT)], acc.at[pl.ds(r0, RPT)])

    @pl.when(c == 1)
    def _init_zero():
        zero16 = jnp.zeros((16,), jnp.float32)

        def zb(g, _):
            for k in range(8):
                buf[0, g, pl.ds(k * 16, 16)] = zero16
            return 0
        lax.fori_loop(0, CH, zb, 0)
        for part in range(RPT // CH):
            pltpu.sync_copy(
                buf.at[0], acc.at[pl.ds(r0 + part * CH, CH)])
        pltpu.sync_copy(
            buf.at[0, pl.ds(0, RPT - (RPT // CH) * CH)],
            acc.at[pl.ds(r0 + (RPT // CH) * CH, RPT - (RPT // CH) * CH)])
    plsc.subcore_barrier()

    def wbody(w, _):
        bw = lax.rem(w, 2)
        pltpu.make_async_copy(idx_hbm.at[wid, w], idx_v.at[bw], isem).wait()

        @pl.when(w < NWIN - 1)
        def _prefetch_idx():
            pltpu.async_copy(idx_hbm.at[wid, w + 1], idx_v.at[1 - bw], isem)

        def kbody(k, _):
            b = lax.rem(k, 2)

            @pl.when(k < WCH)
            def _start_gather():
                pltpu.async_copy(
                    zp_hbm.at[idx_v.at[bw, 0, k]], buf.at[b], sem)

            @pl.when(k > 0)
            def _scatter_prev():
                kp = k - 1
                pltpu.make_async_copy(
                    zp_hbm.at[idx_v.at[bw, 0, kp]], buf.at[1 - b], sem
                ).wait()
                pltpu.sync_copy(
                    buf.at[1 - b], acc.at[idx_v.at[bw, 1, kp]], add=True)
            return 0
        lax.fori_loop(0, WCH + 1, kbody, 0)
        return 0
    lax.fori_loop(0, NWIN, wbody, 0)

    plsc.subcore_barrier()
    r0 = s * RPT
    pltpu.sync_copy(acc.at[pl.ds(r0, RPT)], aout.at[c, pl.ds(r0, RPT)])


def _spmm_call(zp, idx5):
    return pl.kernel(
        _spmm_body,
        out_type=jax.ShapeDtypeStruct((NC, NPAD, 128), jnp.float32),
        mesh=_mesh(),
        scratch_types=[
            pltpu.VMEM((2, 2, WCH, CH), jnp.int32),
            pltpu.VMEM((2, CH, 128), jnp.float32),
            pltpu.SemaphoreType.DMA,
            pltpu.SemaphoreType.DMA,
            pltpu.VMEM_SHARED((NPAD, 128), jnp.float32),
        ],
    )(zp, idx5)


def _dinv_of(deg_ref):
    deg = deg_ref[0, :, 0:1] + deg_ref[1, :, 0:1] + 1.0
    return lax.rsqrt(deg)


def _tc1_body(x_ref, w1_ref, deg_ref, zp_ref, dn_ref):
    dinv = _dinv_of(deg_ref)
    z = jnp.dot(x_ref[...], w1_ref[...], preferred_element_type=jnp.float32)
    zp_ref[...] = z * dinv
    dn_ref[...] = jnp.broadcast_to(dinv, (BR, 8))


def _tc2_body(a1_ref, dn_ref, b1_ref, w2_ref, zp_ref):
    dinv = dn_ref[:, 0:1]
    a = a1_ref[0] + a1_ref[1]
    h = jnp.maximum(a * dinv + b1_ref[...], 0.0)
    z = jnp.dot(h, w2_ref[...], preferred_element_type=jnp.float32)
    zd = z * dinv
    zp_ref[...] = jnp.concatenate(
        [zd, jnp.zeros((BR, 64), jnp.float32)], axis=1)


def _tc3_body(a2_ref, dn_ref, b2_ref, wfc_ref, bfc_ref, out_ref):
    dinv = dn_ref[:, 0:1]
    a = (a2_ref[0] + a2_ref[1])[:, :64]
    h = jnp.maximum(a * dinv + b2_ref[...], 0.0)
    out_ref[...] = (
        jnp.dot(h, wfc_ref[...], preferred_element_type=jnp.float32)
        + bfc_ref[...])


_DEG_SPEC = pl.BlockSpec((NC, BR, 128), lambda i: (0, i, 0))
_ROW_SPEC = pl.BlockSpec((BR, 128), lambda i: (i, 0))
_PART_SPEC = pl.BlockSpec((NC, BR, 128), lambda i: (0, i, 0))


def _tc1(x, W1, degp):
    return pl.pallas_call(
        _tc1_body,
        grid=(N // BR,),
        in_specs=[
            _ROW_SPEC,
            pl.BlockSpec((128, 128), lambda i: (0, 0)),
            _DEG_SPEC,
        ],
        out_specs=(_ROW_SPEC, pl.BlockSpec((BR, 8), lambda i: (i, 0))),
        out_shape=(jax.ShapeDtypeStruct((NPAD, 128), jnp.float32),
                   jax.ShapeDtypeStruct((NPAD, 8), jnp.float32)),
    )(x, W1, degp)


def _tc2(a1, dn, b1r, W2):
    return pl.pallas_call(
        _tc2_body,
        grid=(N // BR,),
        in_specs=[
            _PART_SPEC,
            pl.BlockSpec((BR, 8), lambda i: (i, 0)),
            pl.BlockSpec((1, 128), lambda i: (0, 0)),
            pl.BlockSpec((128, 64), lambda i: (0, 0)),
        ],
        out_specs=_ROW_SPEC,
        out_shape=jax.ShapeDtypeStruct((NPAD, 128), jnp.float32),
    )(a1, dn, b1r, W2)


def _tc3(a2, dn, b2r, Wfc, bfcr):
    return pl.pallas_call(
        _tc3_body,
        grid=(N // BR,),
        in_specs=[
            _PART_SPEC,
            pl.BlockSpec((BR, 8), lambda i: (i, 0)),
            pl.BlockSpec((1, 64), lambda i: (0, 0)),
            pl.BlockSpec((64, 2), lambda i: (0, 0)),
            pl.BlockSpec((1, 2), lambda i: (0, 0)),
        ],
        out_specs=pl.BlockSpec((BR, 2), lambda i: (i, 0)),
        out_shape=jax.ShapeDtypeStruct((N, 2), jnp.float32),
    )(a2, dn, b2r, Wfc, bfcr)


def kernel(x, edge_index, W1, b1, W2, b2, Wfc, bfc):
    src = edge_index[0].astype(jnp.int32)
    dst = edge_index[1].astype(jnp.int32)
    pad = N + (jnp.arange(EPAD - E, dtype=jnp.int32) % (NPAD - N))
    srcp = jnp.concatenate([src, pad])
    dstp = jnp.concatenate([dst, pad])
    dst32 = dstp.reshape(32, NCHD, CH)
    idx5 = jnp.stack(
        [srcp.reshape(32, NWIN, WCH, CH), dstp.reshape(32, NWIN, WCH, CH)],
        axis=2)
    ones_hbm = jnp.ones((CH, 128), jnp.float32)

    degp = _deg_call(dst32, ones_hbm)
    zp1, dn = _tc1(x, W1, degp)
    a1 = _spmm_call(zp1, idx5)
    zp2 = _tc2(a1, dn, b1.reshape(1, -1), W2)
    a2 = _spmm_call(zp2, idx5)
    return _tc3(a2, dn, b2.reshape(1, -1), Wfc, bfc.reshape(1, -1))

# --- scband reference (transcript-rebuilt; emitter-appended) ---
"""Pipeline reference for scband-node-gnn-56435870269829 (READ-ONLY COPY).

The authoritative reference and input builder live on the scoring server;
editing this copy changes nothing except your own understanding.
"""

import jax, jax.numpy as jnp
import numpy as np

N_NODES = 10000
D_FEAT = 128
HIDDEN = 128
OUT_CH = 2
N_EDGES = 320000


def setup_inputs(seed: int = 0) -> dict:
    key = jax.random.key(seed)
    ks = jax.random.split(key, 8)
    x = jax.random.normal(ks[0], (N_NODES, D_FEAT), dtype=jnp.float32)
    edge_index = jax.random.randint(ks[1], (2, N_EDGES), 0, N_NODES, dtype=jnp.int64)
    s1 = 1.0 / np.sqrt(D_FEAT)
    W1 = jax.random.uniform(ks[2], (D_FEAT, HIDDEN), jnp.float32, -s1, s1)
    b1 = jnp.zeros((HIDDEN,), jnp.float32)
    s2 = 1.0 / np.sqrt(HIDDEN)
    W2 = jax.random.uniform(ks[3], (HIDDEN, HIDDEN // 2), jnp.float32, -s2, s2)
    b2 = jnp.zeros((HIDDEN // 2,), jnp.float32)
    s3 = 1.0 / np.sqrt(HIDDEN // 2)
    Wfc = jax.random.uniform(ks[4], (HIDDEN // 2, OUT_CH), jnp.float32, -s3, s3)
    bfc = jax.random.uniform(ks[5], (OUT_CH,), jnp.float32, -s3, s3)
    return {"x": x, "edge_index": edge_index, "W1": W1, "b1": b1, "W2": W2, "b2": b2, "Wfc": Wfc, "bfc": bfc}


def _gcn_conv(x, edge_index, W, b):
    # GCNConv: x' = D^{-1/2} (A + I) D^{-1/2} X W + b  (symmetric normalization, self-loops)
    num_nodes = x.shape[0]
    loop = jnp.arange(num_nodes, dtype=edge_index.dtype)
    src = jnp.concatenate([edge_index[0], loop])
    dst = jnp.concatenate([edge_index[1], loop])
    deg = jnp.zeros((num_nodes,), jnp.float32).at[dst].add(1.0)
    dinv = jnp.where(deg > 0, jax.lax.rsqrt(deg), 0.0)
    norm = dinv[src] * dinv[dst]
    xw = x @ W
    msgs = jnp.take(xw, src, axis=0) * norm[:, None]
    out = jnp.zeros((num_nodes, W.shape[1]), jnp.float32).at[dst].add(msgs)
    return out + b


def reference(x, edge_index, W1, b1, W2, b2, Wfc, bfc):
    # edge_type == 'nan' branch; eval mode -> dropout is identity
    h = _gcn_conv(x, edge_index, W1, b1)
    h = jax.nn.relu(h)
    h = _gcn_conv(h, edge_index, W2, b2)
    h = jax.nn.relu(h)
    out = h @ Wfc + bfc
    return out

if __name__ == "__main__":
    import jax
    _d = setup_inputs()
    print(jax.jit(kernel)(*tuple(_d.values())))

</pallas_src>

<mosaic_0001>
#map = affine_map<(d0, d1) -> (0, 0)>
#map1 = affine_map<(d0, d1) -> (0, 0, 0, 0, 0)>
#map2 = affine_map<(d0, d1) -> (0, 0, 0)>
module attributes {stable_mosaic.version = 14 : i64} {
  func.func @_spmm_body(%arg0: i32, %arg1: i32, %arg2: memref<10112x128xf32, #tpu.memory_space<hbm>>, %arg3: memref<32x4x2x20x128xi32, #tpu.memory_space<hbm>>, %arg4: memref<2x10112x128xf32, #tpu.memory_space<hbm>>, %arg5: memref<2x2x20x128xi32, #tpu.memory_space<vmem>>, %arg6: memref<2x128x128xf32, #tpu.memory_space<vmem>>, %arg7: memref<!tpu.dma_semaphore, #tpu.memory_space<semaphore_mem>>, %arg8: memref<!tpu.dma_semaphore, #tpu.memory_space<semaphore_mem>>, %arg9: memref<10112x128xf32, #tpu.memory_space<vmem_shared>>) attributes {dimension_semantics = [#tpu.dimension_semantics<core_parallel>, #tpu.dimension_semantics<subcore_parallel>], iteration_bounds = array<i64: 2, 16>, scalar_prefetch = 0 : i64, scratch_operands = 5 : i64, tpu.core_type = #tpu.core_type<sc_vector_subcore>, window_params = [{transform_indices = #map}, {transform_indices = #map1}, {transform_indices = #map2}]} {
    %mul3A = arith.constant 2 : i32
    %mul3A_0 = arith.muli %arg1, %mul3A : i32
    %add3A = arith.addi %mul3A_0, %arg0 : i32
    %mul3A_1 = arith.constant 632 : i32
    %mul3A_2 = arith.muli %arg1, %mul3A_1 : i32
    %dma_start3A = arith.constant 0 : i32
    %dma_start3A_3 = arith.constant 0 : i32
    %dma_start3A_4 = arith.constant 0 : i32
    %dma_start3A_5 = arith.constant 0 : i32
    %dma_start3A_6 = arith.constant 0 : i32
    %dma_start3A_7 = tpu.memref_slice %arg5[%dma_start3A_3, %dma_start3A_4, %dma_start3A_5, %dma_start3A_6] : memref<2x2x20x128xi32, #tpu.memory_space<vmem>> -> memref<1x2x20x128xi32, #tpu.memory_space<vmem>>
    %dma_start3A_8 = tpu.memref_squeeze %dma_start3A_7 : memref<1x2x20x128xi32, #tpu.memory_space<vmem>> -> memref<2x20x128xi32, #tpu.memory_space<vmem>>
    %dma_start3A_9 = arith.constant 0 : i32
    %dma_start3A_10 = arith.constant 0 : i32
    %dma_start3A_11 = arith.constant 0 : i32
    %dma_start3A_12 = tpu.memref_slice %arg3[%add3A, %dma_start3A, %dma_start3A_9, %dma_start3A_10, %dma_start3A_11] : memref<32x4x2x20x128xi32, #tpu.memory_space<hbm>> -> memref<1x1x2x20x128xi32, #tpu.memory_space<hbm>>
    %dma_start3A_13 = tpu.memref_squeeze %dma_start3A_12 : memref<1x1x2x20x128xi32, #tpu.memory_space<hbm>> -> memref<2x20x128xi32, #tpu.memory_space<hbm>>
    %dma_start3A_14 = arith.constant 0 : i32
    %dma_start3A_15 = arith.constant 0 : i32
    %dma_start3A_16 = arith.constant 0 : i32
    %dma_start3A_17 = tpu.memref_slice %arg5[%dma_start3A_3, %dma_start3A_14, %dma_start3A_15, %dma_start3A_16] : memref<2x2x20x128xi32, #tpu.memory_space<vmem>> -> memref<1x2x20x128xi32, #tpu.memory_space<vmem>>
    %dma_start3A_18 = tpu.memref_squeeze %dma_start3A_17 : memref<1x2x20x128xi32, #tpu.memory_space<vmem>> -> memref<2x20x128xi32, #tpu.memory_space<vmem>>
    %dma_start3A_19 = arith.constant 0 : i32
    %dma_start3A_20 = arith.constant 0 : i32
    %dma_start3A_21 = arith.constant 0 : i32
    %dma_start3A_22 = tpu.memref_slice %arg3[%add3A, %dma_start3A, %dma_start3A_19, %dma_start3A_20, %dma_start3A_21] : memref<32x4x2x20x128xi32, #tpu.memory_space<hbm>> -> memref<1x1x2x20x128xi32, #tpu.memory_space<hbm>>
    %dma_start3A_23 = tpu.memref_squeeze %dma_start3A_22 : memref<1x1x2x20x128xi32, #tpu.memory_space<hbm>> -> memref<2x20x128xi32, #tpu.memory_space<hbm>>
    tpu.enqueue_dma source(%dma_start3A_23 : memref<2x20x128xi32, #tpu.memory_space<hbm>>) target(%dma_start3A_18 : memref<2x20x128xi32, #tpu.memory_space<vmem>>) target_semaphore(%arg7 : memref<!tpu.dma_semaphore, #tpu.memory_space<semaphore_mem>>)
    %eq3A = arith.constant 0 : i32
    %eq3A_24 = arith.cmpi eq, %arg0, %eq3A : i32
    %convert_element_type3A = arith.extui %eq3A_24 : i1 to i32
    %cond3A = arith.constant 0 : i32
    %cond3A_25 = arith.cmpi ne, %convert_element_type3A, %cond3A : i32
    scf.if %cond3A_25 {
      "tpu.region"() ({
        %run_scoped3A = tpu.sem_alloc : memref<!tpu.dma_semaphore, #tpu.memory_space<semaphore_mem>>
        %dma_start3A_40 = arith.constant 0 : i32
        %dma_start3A_41 = tpu.memref_slice %arg9[%mul3A_2, %dma_start3A_40] : memref<10112x128xf32, #tpu.memory_space<vmem_shared>> -> memref<632x128xf32, #tpu.memory_space<vmem_shared>>
        %dma_start3A_42 = arith.constant 0 : i32
        %dma_start3A_43 = tpu.memref_slice %arg2[%mul3A_2, %dma_start3A_42] : memref<10112x128xf32, #tpu.memory_space<hbm>> -> memref<632x128xf32, #tpu.memory_space<hbm>>
        tpu.enqueue_dma source(%dma_start3A_43 : memref<632x128xf32, #tpu.memory_space<hbm>>) target(%dma_start3A_41 : memref<632x128xf32, #tpu.memory_space<vmem_shared>>) target_semaphore(%run_scoped3A : memref<!tpu.dma_semaphore, #tpu.memory_space<semaphore_mem>>)
        %dma_wait3A = arith.constant 0 : i32
        %dma_wait3A_44 = tpu.memref_slice %arg9[%mul3A_2, %dma_wait3A] : memref<10112x128xf32, #tpu.memory_space<vmem_shared>> -> memref<632x128xf32, #tpu.memory_space<vmem_shared>>
        %dma_wait3A_45 = arith.constant 0 : i32
        %dma_wait3A_46 = tpu.memref_slice %arg2[%mul3A_2, %dma_wait3A_45] : memref<10112x128xf32, #tpu.memory_space<hbm>> -> memref<632x128xf32, #tpu.memory_space<hbm>>
        tpu.wait_dma2 semaphore(%run_scoped3A : memref<!tpu.dma_semaphore, #tpu.memory_space<semaphore_mem>>) src(%dma_wait3A_46 : memref<632x128xf32, #tpu.memory_space<hbm>>) dst(%dma_wait3A_44 : memref<632x128xf32, #tpu.memory_space<vmem_shared>>)
        tpu.yield
      }) : () -> ()
    } else {
    }
    %eq3A_26 = arith.constant 1 : i32
    %eq3A_27 = arith.cmpi eq, %arg0, %eq3A_26 : i32
    %convert_element_type3A_28 = arith.extui %eq3A_27 : i1 to i32
    %cond3A_29 = arith.constant 0 : i32
    %cond3A_30 = arith.cmpi ne, %convert_element_type3A_28, %cond3A_29 : i32
    scf.if %cond3A_30 {
      %broadcast_in_dim3A = arith.constant 0.000000e+00 : f32
      %broadcast_in_dim3A_40 = vector.broadcast %broadcast_in_dim3A : f32 to vector<16xf32>
      %scan3A_41 = arith.constant 0 : i32
      %scan3A_42 = arith.constant 0 : i32
      %scan3A_43 = arith.constant 128 : i32
      %scan3A_44 = arith.addi %scan3A_42, %scan3A_43 : i32
      %scan3A_45 = arith.constant 1 : i32
      %scan3A_46 = scf.for %scan3A_62 = %scan3A_42 to %scan3A_44 step %scan3A_45 iter_args(%scan3A_63 = %scan3A_41) -> (i32)  : i32 {
        %swap3A = arith.constant 0 : i32
        %swap3A_64 = arith.index_cast %swap3A : i32 to index
        %swap3A_65 = arith.index_cast %scan3A_62 : i32 to index
        %swap3A_66 = arith.constant 0 : index
        %swap3A_67 = tpu.vector_load %arg6[%swap3A_64, %swap3A_65, %swap3A_66] {strides = array<i32>} : memref<2x128x128xf32, #tpu.memory_space<vmem>>, vector<1x1x16xf32>,
        %swap3A_68 = vector.shape_cast %swap3A_67 : vector<1x1x16xf32> to vector<16xf32>
        %swap3A_69 = vector.shape_cast %broadcast_in_dim3A_40 : vector<16xf32> to vector<1x1x16xf32>
        tpu.vector_store %arg6[%swap3A_64, %swap3A_65, %swap3A_66], %swap3A_69 {strides = array<i32>} : memref<2x128x128xf32, #tpu.memory_space<vmem>>, vector<1x1x16xf32>,
        %swap3A_70 = arith.constant 0 : i32
        %swap3A_71 = arith.index_cast %swap3A_70 : i32 to index
        %swap3A_72 = arith.index_cast %scan3A_62 : i32 to index
        %swap3A_73 = arith.constant 16 : index
        %swap3A_74 = tpu.vector_load %arg6[%swap3A_71, %swap3A_72, %swap3A_73] {strides = array<i32>} : memref<2x128x128xf32, #tpu.memory_space<vmem>>, vector<1x1x16xf32>,
        %swap3A_75 = vector.shape_cast %swap3A_74 : vector<1x1x16xf32> to vector<16xf32>
        %swap3A_76 = vector.shape_cast %broadcast_in_dim3A_40 : vector<16xf32> to vector<1x1x16xf32>
        tpu.vector_store %arg6[%swap3A_71, %swap3A_72, %swap3A_73], %swap3A_76 {strides = array<i32>} : memref<2x128x128xf32, #tpu.memory_space<vmem>>, vector<1x1x16xf32>,
        %swap3A_77 = arith.constant 0 : i32
        %swap3A_78 = arith.index_cast %swap3A_77 : i32 to index
        %swap3A_79 = arith.index_cast %scan3A_62 : i32 to index
        %swap3A_80 = arith.constant 32 : index
        %swap3A_81 = tpu.vector_load %arg6[%swap3A_78, %swap3A_79, %swap3A_80] {strides = array<i32>} : memref<2x128x128xf32, #tpu.memory_space<vmem>>, vector<1x1x16xf32>,
        %swap3A_82 = vector.shape_cast %swap3A_81 : vector<1x1x16xf32> to vector<16xf32>
        %swap3A_83 = vector.shape_cast %broadcast_in_dim3A_40 : vector<16xf32> to vector<1x1x16xf32>
        tpu.vector_store %arg6[%swap3A_78, %swap3A_79, %swap3A_80], %swap3A_83 {strides = array<i32>} : memref<2x128x128xf32, #tpu.memory_space<vmem>>, vector<1x1x16xf32>,
        %swap3A_84 = arith.constant 0 : i32
        %swap3A_85 = arith.index_cast %swap3A_84 : i32 to index
        %swap3A_86 = arith.index_cast %scan3A_62 : i32 to index
        %swap3A_87 = arith.constant 48 : index
        %swap3A_88 = tpu.vector_load %arg6[%swap3A_85, %swap3A_86, %swap3A_87] {strides = array<i32>} : memref<2x128x128xf32, #tpu.memory_space<vmem>>, vector<1x1x16xf32>,
        %swap3A_89 = vector.shape_cast %swap3A_88 : vector<1x1x16xf32> to vector<16xf32>
        %swap3A_90 = vector.shape_cast %broadcast_in_dim3A_40 : vector<16xf32> to vector<1x1x16xf32>
        tpu.vector_store %arg6[%swap3A_85, %swap3A_86, %swap3A_87], %swap3A_90 {strides = array<i32>} : memref<2x128x128xf32, #tpu.memory_space<vmem>>, vector<1x1x16xf32>,
        %swap3A_91 = arith.constant 0 : i32
        %swap3A_92 = arith.index_cast %swap3A_91 : i32 to index
        %swap3A_93 = arith.index_cast %scan3A_62 : i32 to index
        %swap3A_94 = arith.constant 64 : index
        %swap3A_95 = tpu.vector_load %arg6[%swap3A_92, %swap3A_93, %swap3A_94] {strides = array<i32>} : memref<2x128x128xf32, #tpu.memory_space<vmem>>, vector<1x1x16xf32>,
        %swap3A_96 = vector.shape_cast %swap3A_95 : vector<1x1x16xf32> to vector<16xf32>
        %swap3A_97 = vector.shape_cast %broadcast_in_dim3A_40 : vector<16xf32> to vector<1x1x16xf32>
        tpu.vector_store %arg6[%swap3A_92, %swap3A_93, %swap3A_94], %swap3A_97 {strides = array<i32>} : memref<2x128x128xf32, #tpu.memory_space<vmem>>, vector<1x1x16xf32>,
        %swap3A_98 = arith.constant 0 : i32
        %swap3A_99 = arith.index_cast %swap3A_98 : i32 to index
        %swap3A_100 = arith.index_cast %scan3A_62 : i32 to index
        %swap3A_101 = arith.constant 80 : index
        %swap3A_102 = tpu.vector_load %arg6[%swap3A_99, %swap3A_100, %swap3A_101] {strides = array<i32>} : memref<2x128x128xf32, #tpu.memory_space<vmem>>, vector<1x1x16xf32>,
        %swap3A_103 = vector.shape_cast %swap3A_102 : vector<1x1x16xf32> to vector<16xf32>
        %swap3A_104 = vector.shape_cast %broadcast_in_dim3A_40 : vector<16xf32> to vector<1x1x16xf32>
        tpu.vector_store %arg6[%swap3A_99, %swap3A_100, %swap3A_101], %swap3A_104 {strides = array<i32>} : memref<2x128x128xf32, #tpu.memory_space<vmem>>, vector<1x1x16xf32>,
        %swap3A_105 = arith.constant 0 : i32
        %swap3A_106 = arith.index_cast %swap3A_105 : i32 to index
        %swap3A_107 = arith.index_cast %scan3A_62 : i32 to index
        %swap3A_108 = arith.constant 96 : index
        %swap3A_109 = tpu.vector_load %arg6[%swap3A_106, %swap3A_107, %swap3A_108] {strides = array<i32>} : memref<2x128x128xf32, #tpu.memory_space<vmem>>, vector<1x1x16xf32>,
        %swap3A_110 = vector.shape_cast %swap3A_109 : vector<1x1x16xf32> to vector<16xf32>
        %swap3A_111 = vector.shape_cast %broadcast_in_dim3A_40 : vector<16xf32> to vector<1x1x16xf32>
        tpu.vector_store %arg6[%swap3A_106, %swap3A_107, %swap3A_108], %swap3A_111 {strides = array<i32>} : memref<2x128x128xf32, #tpu.memory_space<vmem>>, vector<1x1x16xf32>,
        %swap3A_112 = arith.constant 0 : i32
        %swap3A_113 = arith.index_cast %swap3A_112 : i32 to index
        %swap3A_114 = arith.index_cast %scan3A_62 : i32 to index
        %swap3A_115 = arith.constant 112 : index
        %swap3A_116 = tpu.vector_load %arg6[%swap3A_113, %swap3A_114, %swap3A_115] {strides = array<i32>} : memref<2x128x128xf32, #tpu.memory_space<vmem>>, vector<1x1x16xf32>,
        %swap3A_117 = vector.shape_cast %swap3A_116 : vector<1x1x16xf32> to vector<16xf32>
        %swap3A_118 = vector.shape_cast %broadcast_in_dim3A_40 : vector<16xf32> to vector<1x1x16xf32>
        tpu.vector_store %arg6[%swap3A_113, %swap3A_114, %swap3A_115], %swap3A_118 {strides = array<i32>} : memref<2x128x128xf32, #tpu.memory_space<vmem>>, vector<1x1x16xf32>,
        %scan3A_119 = arith.constant 0 : i32
        scf.yield %scan3A_119 : i32
      }
      %scan3A_47 = arith.constant 128 : i32
      %add3A_48 = arith.constant 0 : i32
      %add3A_49 = arith.addi %mul3A_2, %add3A_48 : i32
      %run_scoped3A = arith.constant 0 : i32
      "tpu.region"() ({
        %run_scoped3A_62 = tpu.sem_alloc : memref<!tpu.dma_semaphore, #tpu.memory_space<semaphore_mem>>
        %dma_start3A_63 = arith.constant 0 : i32
        %dma_start3A_64 = arith.constant 0 : i32
        %dma_start3A_65 = tpu.memref_slice %arg6[%run_scoped3A, %dma_start3A_63, %dma_start3A_64] : memref<2x128x128xf32, #tpu.memory_space<vmem>> -> memref<1x128x128xf32, #tpu.memory_space<vmem>>
        %dma_start3A_66 = tpu.memref_squeeze %dma_start3A_65 : memref<1x128x128xf32, #tpu.memory_space<vmem>> -> memref<128x128xf32, #tpu.memory_space<vmem>>
        %dma_start3A_67 = arith.constant 0 : i32
        %dma_start3A_68 = tpu.memref_slice %arg9[%add3A_49, %dma_start3A_67] : memref<10112x128xf32, #tpu.memory_space<vmem_shared>> -> memref<128x128xf32, #tpu.memory_space<vmem_shared>>
        %dma_start3A_69 = arith.constant 0 : i32
        %dma_start3A_70 = tpu.memref_slice %arg9[%add3A_49, %dma_start3A_69] : memref<10112x128xf32, #tpu.memory_space<vmem_shared>> -> memref<128x128xf32, #tpu.memory_space<vmem_shared>>
        %dma_start3A_71 = arith.constant 0 : i32
        %dma_start3A_72 = arith.constant 0 : i32
        %dma_start3A_73 = tpu.memref_slice %arg6[%run_scoped3A, %dma_start3A_71, %dma_start3A_72] : memref<2x128x128xf32, #tpu.memory_space<vmem>> -> memref<1x128x128xf32, #tpu.memory_space<vmem>>
        %dma_start3A_74 = tpu.memref_squeeze %dma_start3A_73 : memref<1x128x128xf32, #tpu.memory_space<vmem>> -> memref<128x128xf32, #tpu.memory_space<vmem>>
        tpu.enqueue_dma source(%dma_start3A_74 : memref<128x128xf32, #tpu.memory_space<vmem>>) target(%dma_start3A_70 : memref<128x128xf32, #tpu.memory_space<vmem_shared>>) target_semaphore(%run_scoped3A_62 : memref<!tpu.dma_semaphore, #tpu.memory_space<semaphore_mem>>)
        %dma_wait3A = arith.constant 0 : i32
        %dma_wait3A_75 = arith.constant 0 : i32
        %dma_wait3A_76 = tpu.memref_slice %arg6[%run_scoped3A, %dma_wait3A, %dma_wait3A_75] : memref<2x128x128xf32, #tpu.memory_space<vmem>> -> memref<1x128x128xf32, #tpu.memory_space<vmem>>
        %dma_wait3A_77 = tpu.memref_squeeze %dma_wait3A_76 : memref<1x128x128xf32, #tpu.memory_space<vmem>> -> memref<128x128xf32, #tpu.memory_space<vmem>>
        %dma_wait3A_78 = arith.constant 0 : i32
        %dma_wait3A_79 = tpu.memref_slice %arg9[%add3A_49, %dma_wait3A_78] : memref<10112x128xf32, #tpu.memory_space<vmem_shared>> -> memref<128x128xf32, #tpu.memory_space<vmem_shared>>
        %dma_wait3A_80 = arith.constant 0 : i32
        %dma_wait3A_81 = tpu.memref_slice %arg9[%add3A_49, %dma_wait3A_80] : memref<10112x128xf32, #tpu.memory_space<vmem_shared>> -> memref<128x128xf32, #tpu.memory_space<vmem_shared>>
        %dma_wait3A_82 = arith.constant 0 : i32
        %dma_wait3A_83 = arith.constant 0 : i32
        %dma_wait3A_84 = tpu.memref_slice %arg6[%run_scoped3A, %dma_wait3A_82, %dma_wait3A_83] : memref<2x128x128xf32, #tpu.memory_space<vmem>> -> memref<1x128x128xf32, #tpu.memory_space<vmem>>
        %dma_wait3A_85 = tpu.memref_squeeze %dma_wait3A_84 : memref<1x128x128xf32, #tpu.memory_space<vmem>> -> memref<128x128xf32, #tpu.memory_space<vmem>>
        tpu.wait_dma2 semaphore(%run_scoped3A_62 : memref<!tpu.dma_semaphore, #tpu.memory_space<semaphore_mem>>) src(%dma_wait3A_85 : memref<128x128xf32, #tpu.memory_space<vmem>>) dst(%dma_wait3A_81 : memref<128x128xf32, #tpu.memory_space<vmem_shared>>)
        tpu.yield
      }) : () -> ()
      %add3A_50 = arith.constant 128 : i32
      %add3A_51 = arith.addi %mul3A_2, %add3A_50 : i32
      %run_scoped3A_52 = arith.constant 0 : i32
      "tpu.region"() ({
        %run_scoped3A_62 = tpu.sem_alloc : memref<!tpu.dma_semaphore, #tpu.memory_space<semaphore_mem>>
        %dma_start3A_63 = arith.constant 0 : i32
        %dma_start3A_64 = arith.constant 0 : i32
        %dma_start3A_65 = tpu.memref_slice %arg6[%run_scoped3A_52, %dma_start3A_63, %dma_start3A_64] : memref<2x128x128xf32, #tpu.memory_space<vmem>> -> memref<1x128x128xf32, #tpu.memory_space<vmem>>
        %dma_start3A_66 = tpu.memref_squeeze %dma_start3A_65 : memref<1x128x128xf32, #tpu.memory_space<vmem>> -> memref<128x128xf32, #tpu.memory_space<vmem>>
        %dma_start3A_67 = arith.constant 0 : i32
        %dma_start3A_68 = tpu.memref_slice %arg9[%add3A_51, %dma_start3A_67] : memref<10112x128xf32, #tpu.memory_space<vmem_shared>> -> memref<128x128xf32, #tpu.memory_space<vmem_shared>>
        %dma_start3A_69 = arith.constant 0 : i32
        %dma_start3A_70 = tpu.memref_slice %arg9[%add3A_51, %dma_start3A_69] : memref<10112x128xf32, #tpu.memory_space<vmem_shared>> -> memref<128x128xf32, #tpu.memory_space<vmem_shared>>
        %dma_start3A_71 = arith.constant 0 : i32
        %dma_start3A_72 = arith.constant 0 : i32
        %dma_start3A_73 = tpu.memref_slice %arg6[%run_scoped3A_52, %dma_start3A_71, %dma_start3A_72] : memref<2x128x128xf32, #tpu.memory_space<vmem>> -> memref<1x128x128xf32, #tpu.memory_space<vmem>>
        %dma_start3A_74 = tpu.memref_squeeze %dma_start3A_73 : memref<1x128x128xf32, #tpu.memory_space<vmem>> -> memref<128x128xf32, #tpu.memory_space<vmem>>
        tpu.enqueue_dma source(%dma_start3A_74 : memref<128x128xf32, #tpu.memory_space<vmem>>) target(%dma_start3A_70 : memref<128x128xf32, #tpu.memory_space<vmem_shared>>) target_semaphore(%run_scoped3A_62 : memref<!tpu.dma_semaphore, #tpu.memory_space<semaphore_mem>>)
        %dma_wait3A = arith.constant 0 : i32
        %dma_wait3A_75 = arith.constant 0 : i32
        %dma_wait3A_76 = tpu.memref_slice %arg6[%run_scoped3A_52, %dma_wait3A, %dma_wait3A_75] : memref<2x128x128xf32, #tpu.memory_space<vmem>> -> memref<1x128x128xf32, #tpu.memory_space<vmem>>
        %dma_wait3A_77 = tpu.memref_squeeze %dma_wait3A_76 : memref<1x128x128xf32, #tpu.memory_space<vmem>> -> memref<128x128xf32, #tpu.memory_space<vmem>>
        %dma_wait3A_78 = arith.constant 0 : i32
        %dma_wait3A_79 = tpu.memref_slice %arg9[%add3A_51, %dma_wait3A_78] : memref<10112x128xf32, #tpu.memory_space<vmem_shared>> -> memref<128x128xf32, #tpu.memory_space<vmem_shared>>
        %dma_wait3A_80 = arith.constant 0 : i32
        %dma_wait3A_81 = tpu.memref_slice %arg9[%add3A_51, %dma_wait3A_80] : memref<10112x128xf32, #tpu.memory_space<vmem_shared>> -> memref<128x128xf32, #tpu.memory_space<vmem_shared>>
        %dma_wait3A_82 = arith.constant 0 : i32
        %dma_wait3A_83 = arith.constant 0 : i32
        %dma_wait3A_84 = tpu.memref_slice %arg6[%run_scoped3A_52, %dma_wait3A_82, %dma_wait3A_83] : memref<2x128x128xf32, #tpu.memory_space<vmem>> -> memref<1x128x128xf32, #tpu.memory_space<vmem>>
        %dma_wait3A_85 = tpu.memref_squeeze %dma_wait3A_84 : memref<1x128x128xf32, #tpu.memory_space<vmem>> -> memref<128x128xf32, #tpu.memory_space<vmem>>
        tpu.wait_dma2 semaphore(%run_scoped3A_62 : memref<!tpu.dma_semaphore, #tpu.memory_space<semaphore_mem>>) src(%dma_wait3A_85 : memref<128x128xf32, #tpu.memory_space<vmem>>) dst(%dma_wait3A_81 : memref<128x128xf32, #tpu.memory_space<vmem_shared>>)
        tpu.yield
      }) : () -> ()
      %add3A_53 = arith.constant 256 : i32
      %add3A_54 = arith.addi %mul3A_2, %add3A_53 : i32
      %run_scoped3A_55 = arith.constant 0 : i32
      "tpu.region"() ({
        %run_scoped3A_62 = tpu.sem_alloc : memref<!tpu.dma_semaphore, #tpu.memory_space<semaphore_mem>>
        %dma_start3A_63 = arith.constant 0 : i32
        %dma_start3A_64 = arith.constant 0 : i32
        %dma_start3A_65 = tpu.memref_slice %arg6[%run_scoped3A_55, %dma_start3A_63, %dma_start3A_64] : memref<2x128x128xf32, #tpu.memory_space<vmem>> -> memref<1x128x128xf32, #tpu.memory_space<vmem>>
        %dma_start3A_66 = tpu.memref_squeeze %dma_start3A_65 : memref<1x128x128xf32, #tpu.memory_space<vmem>> -> memref<128x128xf32, #tpu.memory_space<vmem>>
        %dma_start3A_67 = arith.constant 0 : i32
        %dma_start3A_68 = tpu.memref_slice %arg9[%add3A_54, %dma_start3A_67] : memref<10112x128xf32, #tpu.memory_space<vmem_shared>> -> memref<128x128xf32, #tpu.memory_space<vmem_shared>>
        %dma_start3A_69 = arith.constant 0 : i32
        %dma_start3A_70 = tpu.memref_slice %arg9[%add3A_54, %dma_start3A_69] : memref<10112x128xf32, #tpu.memory_space<vmem_shared>> -> memref<128x128xf32, #tpu.memory_space<vmem_shared>>
        %dma_start3A_71 = arith.constant 0 : i32
        %dma_start3A_72 = arith.constant 0 : i32
        %dma_start3A_73 = tpu.memref_slice %arg6[%run_scoped3A_55, %dma_start3A_71, %dma_start3A_72] : memref<2x128x128xf32, #tpu.memory_space<vmem>> -> memref<1x128x128xf32, #tpu.memory_space<vmem>>
        %dma_start3A_74 = tpu.memref_squeeze %dma_start3A_73 : memref<1x128x128xf32, #tpu.memory_space<vmem>> -> memref<128x128xf32, #tpu.memory_space<vmem>>
        tpu.enqueue_dma source(%dma_start3A_74 : memref<128x128xf32, #tpu.memory_space<vmem>>) target(%dma_start3A_70 : memref<128x128xf32, #tpu.memory_space<vmem_shared>>) target_semaphore(%run_scoped3A_62 : memref<!tpu.dma_semaphore, #tpu.memory_space<semaphore_mem>>)
        %dma_wait3A = arith.constant 0 : i32
        %dma_wait3A_75 = arith.constant 0 : i32
        %dma_wait3A_76 = tpu.memref_slice %arg6[%run_scoped3A_55, %dma_wait3A, %dma_wait3A_75] : memref<2x128x128xf32, #tpu.memory_space<vmem>> -> memref<1x128x128xf32, #tpu.memory_space<vmem>>
        %dma_wait3A_77 = tpu.memref_squeeze %dma_wait3A_76 : memref<1x128x128xf32, #tpu.memory_space<vmem>> -> memref<128x128xf32, #tpu.memory_space<vmem>>
        %dma_wait3A_78 = arith.constant 0 : i32
        %dma_wait3A_79 = tpu.memref_slice %arg9[%add3A_54, %dma_wait3A_78] : memref<10112x128xf32, #tpu.memory_space<vmem_shared>> -> memref<128x128xf32, #tpu.memory_space<vmem_shared>>
        %dma_wait3A_80 = arith.constant 0 : i32
        %dma_wait3A_81 = tpu.memref_slice %arg9[%add3A_54, %dma_wait3A_80] : memref<10112x128xf32, #tpu.memory_space<vmem_shared>> -> memref<128x128xf32, #tpu.memory_space<vmem_shared>>
        %dma_wait3A_82 = arith.constant 0 : i32
        %dma_wait3A_83 = arith.constant 0 : i32
        %dma_wait3A_84 = tpu.memref_slice %arg6[%run_scoped3A_55, %dma_wait3A_82, %dma_wait3A_83] : memref<2x128x128xf32, #tpu.memory_space<vmem>> -> memref<1x128x128xf32, #tpu.memory_space<vmem>>
        %dma_wait3A_85 = tpu.memref_squeeze %dma_wait3A_84 : memref<1x128x128xf32, #tpu.memory_space<vmem>> -> memref<128x128xf32, #tpu.memory_space<vmem>>
        tpu.wait_dma2 semaphore(%run_scoped3A_62 : memref<!tpu.dma_semaphore, #tpu.memory_space<semaphore_mem>>) src(%dma_wait3A_85 : memref<128x128xf32, #tpu.memory_space<vmem>>) dst(%dma_wait3A_81 : memref<128x128xf32, #tpu.memory_space<vmem_shared>>)
        tpu.yield
      }) : () -> ()
      %add3A_56 = arith.constant 384 : i32
      %add3A_57 = arith.addi %mul3A_2, %add3A_56 : i32
      %run_scoped3A_58 = arith.constant 0 : i32
      "tpu.region"() ({
        %run_scoped3A_62 = tpu.sem_alloc : memref<!tpu.dma_semaphore, #tpu.memory_space<semaphore_mem>>
        %dma_start3A_63 = arith.constant 0 : i32
        %dma_start3A_64 = arith.constant 0 : i32
        %dma_start3A_65 = tpu.memref_slice %arg6[%run_scoped3A_58, %dma_start3A_63, %dma_start3A_64] : memref<2x128x128xf32, #tpu.memory_space<vmem>> -> memref<1x128x128xf32, #tpu.memory_space<vmem>>
        %dma_start3A_66 = tpu.memref_squeeze %dma_start3A_65 : memref<1x128x128xf32, #tpu.memory_space<vmem>> -> memref<128x128xf32, #tpu.memory_space<vmem>>
        %dma_start3A_67 = arith.constant 0 : i32
        %dma_start3A_68 = tpu.memref_slice %arg9[%add3A_57, %dma_start3A_67] : memref<10112x128xf32, #tpu.memory_space<vmem_shared>> -> memref<128x128xf32, #tpu.memory_space<vmem_shared>>
        %dma_start3A_69 = arith.constant 0 : i32
        %dma_start3A_70 = tpu.memref_slice %arg9[%add3A_57, %dma_start3A_69] : memref<10112x128xf32, #tpu.memory_space<vmem_shared>> -> memref<128x128xf32, #tpu.memory_space<vmem_shared>>
        %dma_start3A_71 = arith.constant 0 : i32
        %dma_start3A_72 = arith.constant 0 : i32
        %dma_start3A_73 = tpu.memref_slice %arg6[%run_scoped3A_58, %dma_start3A_71, %dma_start3A_72] : memref<2x128x128xf32, #tpu.memory_space<vmem>> -> memref<1x128x128xf32, #tpu.memory_space<vmem>>
        %dma_start3A_74 = tpu.memref_squeeze %dma_start3A_73 : memref<1x128x128xf32, #tpu.memory_space<vmem>> -> memref<128x128xf32, #tpu.memory_space<vmem>>
        tpu.enqueue_dma source(%dma_start3A_74 : memref<128x128xf32, #tpu.memory_space<vmem>>) target(%dma_start3A_70 : memref<128x128xf32, #tpu.memory_space<vmem_shared>>) target_semaphore(%run_scoped3A_62 : memref<!tpu.dma_semaphore, #tpu.memory_space<semaphore_mem>>)
        %dma_wait3A = arith.constant 0 : i32
        %dma_wait3A_75 = arith.constant 0 : i32
        %dma_wait3A_76 = tpu.memref_slice %arg6[%run_scoped3A_58, %dma_wait3A, %dma_wait3A_75] : memref<2x128x128xf32, #tpu.memory_space<vmem>> -> memref<1x128x128xf32, #tpu.memory_space<vmem>>
        %dma_wait3A_77 = tpu.memref_squeeze %dma_wait3A_76 : memref<1x128x128xf32, #tpu.memory_space<vmem>> -> memref<128x128xf32, #tpu.memory_space<vmem>>
        %dma_wait3A_78 = arith.constant 0 : i32
        %dma_wait3A_79 = tpu.memref_slice %arg9[%add3A_57, %dma_wait3A_78] : memref<10112x128xf32, #tpu.memory_space<vmem_shared>> -> memref<128x128xf32, #tpu.memory_space<vmem_shared>>
        %dma_wait3A_80 = arith.constant 0 : i32
        %dma_wait3A_81 = tpu.memref_slice %arg9[%add3A_57, %dma_wait3A_80] : memref<10112x128xf32, #tpu.memory_space<vmem_shared>> -> memref<128x128xf32, #tpu.memory_space<vmem_shared>>
        %dma_wait3A_82 = arith.constant 0 : i32
        %dma_wait3A_83 = arith.constant 0 : i32
        %dma_wait3A_84 = tpu.memref_slice %arg6[%run_scoped3A_58, %dma_wait3A_82, %dma_wait3A_83] : memref<2x128x128xf32, #tpu.memory_space<vmem>> -> memref<1x128x128xf32, #tpu.memory_space<vmem>>
        %dma_wait3A_85 = tpu.memref_squeeze %dma_wait3A_84 : memref<1x128x128xf32, #tpu.memory_space<vmem>> -> memref<128x128xf32, #tpu.memory_space<vmem>>
        tpu.wait_dma2 semaphore(%run_scoped3A_62 : memref<!tpu.dma_semaphore, #tpu.memory_space<semaphore_mem>>) src(%dma_wait3A_85 : memref<128x128xf32, #tpu.memory_space<vmem>>) dst(%dma_wait3A_81 : memref<128x128xf32, #tpu.memory_space<vmem_shared>>)
        tpu.yield
      }) : () -> ()
      %add3A_59 = arith.constant 512 : i32
      %add3A_60 = arith.addi %mul3A_2, %add3A_59 : i32
      %run_scoped3A_61 = arith.constant 0 : i32
      "tpu.region"() ({
        %run_scoped3A_62 = tpu.sem_alloc : memref<!tpu.dma_semaphore, #tpu.memory_space<semaphore_mem>>
        %dma_start3A_63 = arith.constant 0 : i32
        %dma_start3A_64 = arith.constant 0 : i32
        %dma_start3A_65 = tpu.memref_slice %arg6[%run_scoped3A_61, %dma_start3A_63, %dma_start3A_64] : memref<2x128x128xf32, #tpu.memory_space<vmem>> -> memref<1x120x128xf32, #tpu.memory_space<vmem>>
        %dma_start3A_66 = tpu.memref_squeeze %dma_start3A_65 : memref<1x120x128xf32, #tpu.memory_space<vmem>> -> memref<120x128xf32, #tpu.memory_space<vmem>>
        %dma_start3A_67 = arith.constant 0 : i32
        %dma_start3A_68 = tpu.memref_slice %arg9[%add3A_60, %dma_start3A_67] : memref<10112x128xf32, #tpu.memory_space<vmem_shared>> -> memref<120x128xf32, #tpu.memory_space<vmem_shared>>
        %dma_start3A_69 = arith.constant 0 : i32
        %dma_start3A_70 = tpu.memref_slice %arg9[%add3A_60, %dma_start3A_69] : memref<10112x128xf32, #tpu.memory_space<vmem_shared>> -> memref<120x128xf32, #tpu.memory_space<vmem_shared>>
        %dma_start3A_71 = arith.constant 0 : i32
        %dma_start3A_72 = arith.constant 0 : i32
        %dma_start3A_73 = tpu.memref_slice %arg6[%run_scoped3A_61, %dma_start3A_71, %dma_start3A_72] : memref<2x128x128xf32, #tpu.memory_space<vmem>> -> memref<1x120x128xf32, #tpu.memory_space<vmem>>
        %dma_start3A_74 = tpu.memref_squeeze %dma_start3A_73 : memref<1x120x128xf32, #tpu.memory_space<vmem>> -> memref<120x128xf32, #tpu.memory_space<vmem>>
        tpu.enqueue_dma source(%dma_start3A_74 : memref<120x128xf32, #tpu.memory_space<vmem>>) target(%dma_start3A_70 : memref<120x128xf32, #tpu.memory_space<vmem_shared>>) target_semaphore(%run_scoped3A_62 : memref<!tpu.dma_semaphore, #tpu.memory_space<semaphore_mem>>)
        %dma_wait3A = arith.constant 0 : i32
        %dma_wait3A_75 = arith.constant 0 : i32
        %dma_wait3A_76 = tpu.memref_slice %arg6[%run_scoped3A_61, %dma_wait3A, %dma_wait3A_75] : memref<2x128x128xf32, #tpu.memory_space<vmem>> -> memref<1x120x128xf32, #tpu.memory_space<vmem>>
        %dma_wait3A_77 = tpu.memref_squeeze %dma_wait3A_76 : memref<1x120x128xf32, #tpu.memory_space<vmem>> -> memref<120x128xf32, #tpu.memory_space<vmem>>
        %dma_wait3A_78 = arith.constant 0 : i32
        %dma_wait3A_79 = tpu.memref_slice %arg9[%add3A_60, %dma_wait3A_78] : memref<10112x128xf32, #tpu.memory_space<vmem_shared>> -> memref<120x128xf32, #tpu.memory_space<vmem_shared>>
        %dma_wait3A_80 = arith.constant 0 : i32
        %dma_wait3A_81 = tpu.memref_slice %arg9[%add3A_60, %dma_wait3A_80] : memref<10112x128xf32, #tpu.memory_space<vmem_shared>> -> memref<120x128xf32, #tpu.memory_space<vmem_shared>>
        %dma_wait3A_82 = arith.constant 0 : i32
        %dma_wait3A_83 = arith.constant 0 : i32
        %dma_wait3A_84 = tpu.memref_slice %arg6[%run_scoped3A_61, %dma_wait3A_82, %dma_wait3A_83] : memref<2x128x128xf32, #tpu.memory_space<vmem>> -> memref<1x120x128xf32, #tpu.memory_space<vmem>>
        %dma_wait3A_85 = tpu.memref_squeeze %dma_wait3A_84 : memref<1x120x128xf32, #tpu.memory_space<vmem>> -> memref<120x128xf32, #tpu.memory_space<vmem>>
        tpu.wait_dma2 semaphore(%run_scoped3A_62 : memref<!tpu.dma_semaphore, #tpu.memory_space<semaphore_mem>>) src(%dma_wait3A_85 : memref<120x128xf32, #tpu.memory_space<vmem>>) dst(%dma_wait3A_81 : memref<120x128xf32, #tpu.memory_space<vmem_shared>>)
        tpu.yield
      }) : () -> ()
    } else {
    }
    %barrier3A = arith.constant 0 : index
    tpu.barrier barrier_id(%barrier3A)
    %scan3A = arith.constant 0 : i32
    %scan3A_31 = arith.constant 0 : i32
    %scan3A_32 = arith.constant 4 : i32
    %scan3A_33 = arith.addi %scan3A_31, %scan3A_32 : i32
    %scan3A_34 = arith.constant 1 : i32
    %scan3A_35 = scf.for %scan3A_40 = %scan3A_31 to %scan3A_33 step %scan3A_34 iter_args(%scan3A_41 = %scan3A) -> (i32)  : i32 {
      %rem3A = arith.constant 2 : i32
      %rem3A_42 = arith.remsi %scan3A_40, %rem3A : i32
      %dma_wait3A = arith.constant 0 : i32
      %dma_wait3A_43 = arith.constant 0 : i32
      %dma_wait3A_44 = arith.constant 0 : i32
      %dma_wait3A_45 = tpu.memref_slice %arg5[%rem3A_42, %dma_wait3A, %dma_wait3A_43, %dma_wait3A_44] : memref<2x2x20x128xi32, #tpu.memory_space<vmem>> -> memref<1x2x20x128xi32, #tpu.memory_space<vmem>>
      %dma_wait3A_46 = tpu.memref_squeeze %dma_wait3A_45 : memref<1x2x20x128xi32, #tpu.memory_space<vmem>> -> memref<2x20x128xi32, #tpu.memory_space<vmem>>
      %dma_wait3A_47 = arith.constant 0 : i32
      %dma_wait3A_48 = arith.constant 0 : i32
      %dma_wait3A_49 = arith.constant 0 : i32
      %dma_wait3A_50 = tpu.memref_slice %arg3[%add3A, %scan3A_40, %dma_wait3A_47, %dma_wait3A_48, %dma_wait3A_49] : memref<32x4x2x20x128xi32, #tpu.memory_space<hbm>> -> memref<1x1x2x20x128xi32, #tpu.memory_space<hbm>>
      %dma_wait3A_51 = tpu.memref_squeeze %dma_wait3A_50 : memref<1x1x2x20x128xi32, #tpu.memory_space<hbm>> -> memref<2x20x128xi32, #tpu.memory_space<hbm>>
      %dma_wait3A_52 = arith.constant 0 : i32
      %dma_wait3A_53 = arith.constant 0 : i32
      %dma_wait3A_54 = arith.constant 0 : i32
      %dma_wait3A_55 = tpu.memref_slice %arg5[%rem3A_42, %dma_wait3A_52, %dma_wait3A_53, %dma_wait3A_54] : memref<2x2x20x128xi32, #tpu.memory_space<vmem>> -> memref<1x2x20x128xi32, #tpu.memory_space<vmem>>
      %dma_wait3A_56 = tpu.memref_squeeze %dma_wait3A_55 : memref<1x2x20x128xi32, #tpu.memory_space<vmem>> -> memref<2x20x128xi32, #tpu.memory_space<vmem>>
      %dma_wait3A_57 = arith.constant 0 : i32
      %dma_wait3A_58 = arith.constant 0 : i32
      %dma_wait3A_59 = arith.constant 0 : i32
      %dma_wait3A_60 = tpu.memref_slice %arg3[%add3A, %scan3A_40, %dma_wait3A_57, %dma_wait3A_58, %dma_wait3A_59] : memref<32x4x2x20x128xi32, #tpu.memory_space<hbm>> -> memref<1x1x2x20x128xi32, #tpu.memory_space<hbm>>
      %dma_wait3A_61 = tpu.memref_squeeze %dma_wait3A_60 : memref<1x1x2x20x128xi32, #tpu.memory_space<hbm>> -> memref<2x20x128xi32, #tpu.memory_space<hbm>>
      tpu.wait_dma2 semaphore(%arg7 : memref<!tpu.dma_semaphore, #tpu.memory_space<semaphore_mem>>) src(%dma_wait3A_61 : memref<2x20x128xi32, #tpu.memory_space<hbm>>) dst(%dma_wait3A_56 : memref<2x20x128xi32, #tpu.memory_space<vmem>>)
      %lt3A = arith.constant 3 : i32
      %lt3A_62 = arith.cmpi slt, %scan3A_40, %lt3A : i32
      %convert_element_type3A_63 = arith.extui %lt3A_62 : i1 to i32
      %cond3A_64 = arith.constant 0 : i32
      %cond3A_65 = arith.cmpi ne, %convert_element_type3A_63, %cond3A_64 : i32
      scf.if %cond3A_65 {
        %add3A_74 = arith.constant 1 : i32
        %add3A_75 = arith.addi %scan3A_40, %add3A_74 : i32
        %sub3A = arith.constant 1 : i32
        %sub3A_76 = arith.subi %sub3A, %rem3A_42 : i32
        %dma_start3A_77 = arith.constant 0 : i32
        %dma_start3A_78 = arith.constant 0 : i32
        %dma_start3A_79 = arith.constant 0 : i32
        %dma_start3A_80 = tpu.memref_slice %arg5[%sub3A_76, %dma_start3A_77, %dma_start3A_78, %dma_start3A_79] : memref<2x2x20x128xi32, #tpu.memory_space<vmem>> -> memref<1x2x20x128xi32, #tpu.memory_space<vmem>>
        %dma_start3A_81 = tpu.memref_squeeze %dma_start3A_80 : memref<1x2x20x128xi32, #tpu.memory_space<vmem>> -> memref<2x20x128xi32, #tpu.memory_space<vmem>>
        %dma_start3A_82 = arith.constant 0 : i32
        %dma_start3A_83 = arith.constant 0 : i32
        %dma_start3A_84 = arith.constant 0 : i32
        %dma_start3A_85 = tpu.memref_slice %arg3[%add3A, %add3A_75, %dma_start3A_82, %dma_start3A_83, %dma_start3A_84] : memref<32x4x2x20x128xi32, #tpu.memory_space<hbm>> -> memref<1x1x2x20x128xi32, #tpu.memory_space<hbm>>
        %dma_start3A_86 = tpu.memref_squeeze %dma_start3A_85 : memref<1x1x2x20x128xi32, #tpu.memory_space<hbm>> -> memref<2x20x128xi32, #tpu.memory_space<hbm>>
        %dma_start3A_87 = arith.constant 0 : i32
        %dma_start3A_88 = arith.constant 0 : i32
        %dma_start3A_89 = arith.constant 0 : i32
        %dma_start3A_90 = tpu.memref_slice %arg5[%sub3A_76, %dma_start3A_87, %dma_start3A_88, %dma_start3A_89] : memref<2x2x20x128xi32, #tpu.memory_space<vmem>> -> memref<1x2x20x128xi32, #tpu.memory_space<vmem>>
        %dma_start3A_91 = tpu.memref_squeeze %dma_start3A_90 : memref<1x2x20x128xi32, #tpu.memory_space<vmem>> -> memref<2x20x128xi32, #tpu.memory_space<vmem>>
        %dma_start3A_92 = arith.constant 0 : i32
        %dma_start3A_93 = arith.constant 0 : i32
        %dma_start3A_94 = arith.constant 0 : i32
        %dma_start3A_95 = tpu.memref_slice %arg3[%add3A, %add3A_75, %dma_start3A_92, %dma_start3A_93, %dma_start3A_94] : memref<32x4x2x20x128xi32, #tpu.memory_space<hbm>> -> memref<1x1x2x20x128xi32, #tpu.memory_space<hbm>>
        %dma_start3A_96 = tpu.memref_squeeze %dma_start3A_95 : memref<1x1x2x20x128xi32, #tpu.memory_space<hbm>> -> memref<2x20x128xi32, #tpu.memory_space<hbm>>
        tpu.enqueue_dma source(%dma_start3A_96 : memref<2x20x128xi32, #tpu.memory_space<hbm>>) target(%dma_start3A_91 : memref<2x20x128xi32, #tpu.memory_space<vmem>>) target_semaphore(%arg7 : memref<!tpu.dma_semaphore, #tpu.memory_space<semaphore_mem>>)
      } else {
      }
      %scan3A_66 = arith.constant 0 : i32
      %scan3A_67 = arith.constant 0 : i32
      %scan3A_68 = arith.constant 21 : i32
      %scan3A_69 = arith.addi %scan3A_67, %scan3A_68 : i32
      %scan3A_70 = arith.constant 1 : i32
      %scan3A_71 = scf.for %scan3A_74 = %scan3A_67 to %scan3A_69 step %scan3A_70 iter_args(%scan3A_75 = %scan3A_66) -> (i32)  : i32 {
        %rem3A_76 = arith.constant 2 : i32
        %rem3A_77 = arith.remsi %scan3A_74, %rem3A_76 : i32
        %lt3A_78 = arith.constant 20 : i32
        %lt3A_79 = arith.cmpi slt, %scan3A_74, %lt3A_78 : i32
        %convert_element_type3A_80 = arith.extui %lt3A_79 : i1 to i32
        %cond3A_81 = arith.constant 0 : i32
        %cond3A_82 = arith.cmpi ne, %convert_element_type3A_80, %cond3A_81 : i32
        scf.if %cond3A_82 {
          %dma_start3A_88 = arith.constant 0 : i32
          %dma_start3A_89 = arith.constant 0 : i32
          %dma_start3A_90 = arith.constant 0 : i32
          %dma_start3A_91 = tpu.memref_slice %arg6[%rem3A_77, %dma_start3A_89, %dma_start3A_90] : memref<2x128x128xf32, #tpu.memory_space<vmem>> -> memref<1x128x128xf32, #tpu.memory_space<vmem>>
          %dma_start3A_92 = tpu.memref_squeeze %dma_start3A_91 : memref<1x128x128xf32, #tpu.memory_space<vmem>> -> memref<128x128xf32, #tpu.memory_space<vmem>>
          %dma_start3A_93 = arith.constant 0 : i32
          %dma_start3A_94 = tpu.memref_slice %arg5[%rem3A_42, %dma_start3A_88, %scan3A_74, %dma_start3A_93] : memref<2x2x20x128xi32, #tpu.memory_space<vmem>> -> memref<1x1x1x128xi32, #tpu.memory_space<vmem>>
          %dma_start3A_95 = tpu.memref_squeeze %dma_start3A_94 : memref<1x1x1x128xi32, #tpu.memory_space<vmem>> -> memref<128xi32, #tpu.memory_space<vmem>>
          %dma_start3A_96 = arith.constant 0 : i32
          %dma_start3A_97 = arith.constant 0 : i32
          %dma_start3A_98 = tpu.memref_slice %arg2[%dma_start3A_96, %dma_start3A_97] : memref<10112x128xf32, #tpu.memory_space<hbm>> -> memref<10112x128xf32, #tpu.memory_space<hbm>>
          tpu.enqueue_indirect_dma source(%dma_start3A_98 : memref<10112x128xf32, #tpu.memory_space<hbm>>) target(%dma_start3A_92 : memref<128x128xf32, #tpu.memory_space<vmem>>) offsets(%dma_start3A_95 : memref<128xi32, #tpu.memory_space<vmem>>) semaphore(%arg8 : memref<!tpu.dma_semaphore, #tpu.memory_space<semaphore_mem>>)
        } else {
        }
        %gt3A = arith.constant 0 : i32
        %gt3A_83 = arith.cmpi sgt, %scan3A_74, %gt3A : i32
        %convert_element_type3A_84 = arith.extui %gt3A_83 : i1 to i32
        %cond3A_85 = arith.constant 0 : i32
        %cond3A_86 = arith.cmpi ne, %convert_element_type3A_84, %cond3A_85 : i32
        scf.if %cond3A_86 {
          %sub3A = arith.constant 1 : i32
          %sub3A_88 = arith.subi %scan3A_74, %sub3A : i32
          %sub3A_89 = arith.constant 1 : i32
          %sub3A_90 = arith.subi %sub3A_89, %rem3A_77 : i32
          %dma_wait3A_91 = arith.constant 0 : i32
          %dma_wait3A_92 = arith.constant 0 : i32
          %dma_wait3A_93 = arith.constant 0 : i32
          %dma_wait3A_94 = tpu.memref_slice %arg6[%sub3A_90, %dma_wait3A_92, %dma_wait3A_93] : memref<2x128x128xf32, #tpu.memory_space<vmem>> -> memref<1x128x128xf32, #tpu.memory_space<vmem>>
          %dma_wait3A_95 = tpu.memref_squeeze %dma_wait3A_94 : memref<1x128x128xf32, #tpu.memory_space<vmem>> -> memref<128x128xf32, #tpu.memory_space<vmem>>
          %dma_wait3A_96 = arith.constant 0 : i32
          %dma_wait3A_97 = tpu.memref_slice %arg5[%rem3A_42, %dma_wait3A_91, %sub3A_88, %dma_wait3A_96] : memref<2x2x20x128xi32, #tpu.memory_space<vmem>> -> memref<1x1x1x128xi32, #tpu.memory_space<vmem>>
          %dma_wait3A_98 = tpu.memref_squeeze %dma_wait3A_97 : memref<1x1x1x128xi32, #tpu.memory_space<vmem>> -> memref<128xi32, #tpu.memory_space<vmem>>
          %dma_wait3A_99 = arith.constant 0 : i32
          %dma_wait3A_100 = arith.constant 0 : i32
          %dma_wait3A_101 = tpu.memref_slice %arg2[%dma_wait3A_99, %dma_wait3A_100] : memref<10112x128xf32, #tpu.memory_space<hbm>> -> memref<10112x128xf32, #tpu.memory_space<hbm>>
          tpu.wait_indirect_dma semaphore(%arg8 : memref<!tpu.dma_semaphore, #tpu.memory_space<semaphore_mem>>) src(%dma_wait3A_101 : memref<10112x128xf32, #tpu.memory_space<hbm>>) dst(%dma_wait3A_95 : memref<128x128xf32, #tpu.memory_space<vmem>>)
          %sub3A_102 = arith.constant 1 : i32
          %sub3A_103 = arith.subi %sub3A_102, %rem3A_77 : i32
          %run_scoped3A = arith.constant 1 : i32
          "tpu.region"() ({
            %run_scoped3A_104 = tpu.sem_alloc : memref<!tpu.dma_semaphore, #tpu.memory_space<semaphore_mem>>
            %dma_start3A_105 = arith.constant 0 : i32
            %dma_start3A_106 = arith.constant 0 : i32
            %dma_start3A_107 = tpu.memref_slice %arg6[%sub3A_103, %dma_start3A_105, %dma_start3A_106] : memref<2x128x128xf32, #tpu.memory_space<vmem>> -> memref<1x128x128xf32, #tpu.memory_space<vmem>>
            %dma_start3A_108 = tpu.memref_squeeze %dma_start3A_107 : memref<1x128x128xf32, #tpu.memory_space<vmem>> -> memref<128x128xf32, #tpu.memory_space<vmem>>
            %dma_start3A_109 = arith.constant 0 : i32
            %dma_start3A_110 = tpu.memref_slice %arg5[%rem3A_42, %run_scoped3A, %sub3A_88, %dma_start3A_109] : memref<2x2x20x128xi32, #tpu.memory_space<vmem>> -> memref<1x1x1x128xi32, #tpu.memory_space<vmem>>
            %dma_start3A_111 = tpu.memref_squeeze %dma_start3A_110 : memref<1x1x1x128xi32, #tpu.memory_space<vmem>> -> memref<128xi32, #tpu.memory_space<vmem>>
            %dma_start3A_112 = arith.constant 0 : i32
            %dma_start3A_113 = arith.constant 0 : i32
            %dma_start3A_114 = tpu.memref_slice %arg9[%dma_start3A_112, %dma_start3A_113] : memref<10112x128xf32, #tpu.memory_space<vmem_shared>> -> memref<10112x128xf32, #tpu.memory_space<vmem_shared>>
            tpu.enqueue_indirect_dma source(%dma_start3A_108 : memref<128x128xf32, #tpu.memory_space<vmem>>) target(%dma_start3A_114 : memref<10112x128xf32, #tpu.memory_space<vmem_shared>>) offsets(%dma_start3A_111 : memref<128xi32, #tpu.memory_space<vmem>>) semaphore(%run_scoped3A_104 : memref<!tpu.dma_semaphore, #tpu.memory_space<semaphore_mem>>) {add = true}
            %dma_wait3A_115 = arith.constant 0 : i32
            %dma_wait3A_116 = arith.constant 0 : i32
            %dma_wait3A_117 = tpu.memref_slice %arg6[%sub3A_103, %dma_wait3A_115, %dma_wait3A_116] : memref<2x128x128xf32, #tpu.memory_space<vmem>> -> memref<1x128x128xf32, #tpu.memory_space<vmem>>
            %dma_wait3A_118 = tpu.memref_squeeze %dma_wait3A_117 : memref<1x128x128xf32, #tpu.memory_space<vmem>> -> memref<128x128xf32, #tpu.memory_space<vmem>>
            %dma_wait3A_119 = arith.constant 0 : i32
            %dma_wait3A_120 = tpu.memref_slice %arg5[%rem3A_42, %run_scoped3A, %sub3A_88, %dma_wait3A_119] : memref<2x2x20x128xi32, #tpu.memory_space<vmem>> -> memref<1x1x1x128xi32, #tpu.memory_space<vmem>>
            %dma_wait3A_121 = tpu.memref_squeeze %dma_wait3A_120 : memref<1x1x1x128xi32, #tpu.memory_space<vmem>> -> memref<128xi32, #tpu.memory_space<vmem>>
            %dma_wait3A_122 = arith.constant 0 : i32
            %dma_wait3A_123 = arith.constant 0 : i32
            %dma_wait3A_124 = tpu.memref_slice %arg9[%dma_wait3A_122, %dma_wait3A_123] : memref<10112x128xf32, #tpu.memory_space<vmem_shared>> -> memref<10112x128xf32, #tpu.memory_space<vmem_shared>>
            tpu.wait_indirect_dma semaphore(%run_scoped3A_104 : memref<!tpu.dma_semaphore, #tpu.memory_space<semaphore_mem>>) src(%dma_wait3A_118 : memref<128x128xf32, #tpu.memory_space<vmem>>) dst(%dma_wait3A_124 : memref<10112x128xf32, #tpu.memory_space<vmem_shared>>)
            tpu.yield
          }) : () -> ()
        } else {
        }
        %scan3A_87 = arith.constant 0 : i32
        scf.yield %scan3A_87 : i32
      }
      %scan3A_72 = arith.constant 21 : i32
      %scan3A_73 = arith.constant 0 : i32
      scf.yield %scan3A_73 : i32
    }
    %scan3A_36 = arith.constant 4 : i32
    %barrier3A_37 = arith.constant 0 : index
    tpu.barrier barrier_id(%barrier3A_37)
    %mul3A_38 = arith.constant 632 : i32
    %mul3A_39 = arith.muli %arg1, %mul3A_38 : i32
    "tpu.region"() ({
      %run_scoped3A = tpu.sem_alloc : memref<!tpu.dma_semaphore, #tpu.memory_space<semaphore_mem>>
      %dma_start3A_40 = arith.constant 0 : i32
      %dma_start3A_41 = tpu.memref_slice %arg4[%arg0, %mul3A_39, %dma_start3A_40] : memref<2x10112x128xf32, #tpu.memory_space<hbm>> -> memref<1x632x128xf32, #tpu.memory_space<hbm>>
      %dma_start3A_42 = tpu.memref_squeeze %dma_start3A_41 : memref<1x632x128xf32, #tpu.memory_space<hbm>> -> memref<632x128xf32, #tpu.memory_space<hbm>>
      %dma_start3A_43 = arith.constant 0 : i32
      %dma_start3A_44 = tpu.memref_slice %arg9[%mul3A_39, %dma_start3A_43] : memref<10112x128xf32, #tpu.memory_space<vmem_shared>> -> memref<632x128xf32, #tpu.memory_space<vmem_shared>>
      tpu.enqueue_dma source(%dma_start3A_44 : memref<632x128xf32, #tpu.memory_space<vmem_shared>>) target(%dma_start3A_42 : memref<632x128xf32, #tpu.memory_space<hbm>>) target_semaphore(%run_scoped3A : memref<!tpu.dma_semaphore, #tpu.memory_space<semaphore_mem>>)
      %dma_wait3A = arith.constant 0 : i32
      %dma_wait3A_45 = tpu.memref_slice %arg4[%arg0, %mul3A_39, %dma_wait3A] : memref<2x10112x128xf32, #tpu.memory_space<hbm>> -> memref<1x632x128xf32, #tpu.memory_space<hbm>>
      %dma_wait3A_46 = tpu.memref_squeeze %dma_wait3A_45 : memref<1x632x128xf32, #tpu.memory_space<hbm>> -> memref<632x128xf32, #tpu.memory_space<hbm>>
      %dma_wait3A_47 = arith.constant 0 : i32
      %dma_wait3A_48 = tpu.memref_slice %arg9[%mul3A_39, %dma_wait3A_47] : memref<10112x128xf32, #tpu.memory_space<vmem_shared>> -> memref<632x128xf32, #tpu.memory_space<vmem_shared>>
      tpu.wait_dma2 semaphore(%run_scoped3A : memref<!tpu.dma_semaphore, #tpu.memory_space<semaphore_mem>>) src(%dma_wait3A_48 : memref<632x128xf32, #tpu.memory_space<vmem_shared>>) dst(%dma_wait3A_46 : memref<632x128xf32, #tpu.memory_space<hbm>>)
      tpu.yield
    }) : () -> ()
    return
  }
}

#map = affine_map<(d0, d1) -> (0, 0, 0)>
#map1 = affine_map<(d0, d1) -> (0, 0)>
module attributes {stable_mosaic.version = 14 : i64} {
  func.func @_deg_body(%arg0: i32, %arg1: i32, %arg2: memref<32x80x128xi32, #tpu.memory_space<hbm>>, %arg3: memref<128x128xf32, #tpu.memory_space<hbm>>, %arg4: memref<2x10112x128xf32, #tpu.memory_space<hbm>>, %arg5: memref<80x128xi32, #tpu.memory_space<vmem>>, %arg6: memref<128x128xf32, #tpu.memory_space<vmem>>, %arg7: memref<128x128xf32, #tpu.memory_space<vmem>>, %arg8: memref<!tpu.dma_semaphore, #tpu.memory_space<semaphore_mem>>, %arg9: memref<10112x128xf32, #tpu.memory_space<vmem_shared>>) attributes {dimension_semantics = [#tpu.dimension_semantics<core_parallel>, #tpu.dimension_semantics<subcore_parallel>], iteration_bounds = array<i64: 2, 16>, scalar_prefetch = 0 : i64, scratch_operands = 5 : i64, tpu.core_type = #tpu.core_type<sc_vector_subcore>, window_params = [{transform_indices = #map}, {transform_indices = #map1}, {transform_indices = #map}]} {
    %mul3A = arith.constant 2 : i32
    %mul3A_0 = arith.muli %arg1, %mul3A : i32
    %add3A = arith.addi %mul3A_0, %arg0 : i32
    %mul3A_1 = arith.constant 632 : i32
    %mul3A_2 = arith.muli %arg1, %mul3A_1 : i32
    %broadcast_in_dim3A = arith.constant 0.000000e+00 : f32
    %broadcast_in_dim3A_3 = vector.broadcast %broadcast_in_dim3A : f32 to vector<16xf32>
    %scan3A = arith.constant 0 : i32
    %scan3A_4 = arith.constant 0 : i32
    %scan3A_5 = arith.constant 128 : i32
    %scan3A_6 = arith.addi %scan3A_4, %scan3A_5 : i32
    %scan3A_7 = arith.constant 1 : i32
    %scan3A_8 = scf.for %scan3A_35 = %scan3A_4 to %scan3A_6 step %scan3A_7 iter_args(%scan3A_36 = %scan3A) -> (i32)  : i32 {
      %swap3A = arith.index_cast %scan3A_35 : i32 to index
      %swap3A_37 = arith.constant 0 : index
      %swap3A_38 = tpu.vector_load %arg7[%swap3A, %swap3A_37] {strides = array<i32>} : memref<128x128xf32, #tpu.memory_space<vmem>>, vector<1x16xf32>,
      %swap3A_39 = vector.shape_cast %swap3A_38 : vector<1x16xf32> to vector<16xf32>
      %swap3A_40 = vector.shape_cast %broadcast_in_dim3A_3 : vector<16xf32> to vector<1x16xf32>
      tpu.vector_store %arg7[%swap3A, %swap3A_37], %swap3A_40 {strides = array<i32>} : memref<128x128xf32, #tpu.memory_space<vmem>>, vector<1x16xf32>,
      %swap3A_41 = arith.index_cast %scan3A_35 : i32 to index
      %swap3A_42 = arith.constant 16 : index
      %swap3A_43 = tpu.vector_load %arg7[%swap3A_41, %swap3A_42] {strides = array<i32>} : memref<128x128xf32, #tpu.memory_space<vmem>>, vector<1x16xf32>,
      %swap3A_44 = vector.shape_cast %swap3A_43 : vector<1x16xf32> to vector<16xf32>
      %swap3A_45 = vector.shape_cast %broadcast_in_dim3A_3 : vector<16xf32> to vector<1x16xf32>
      tpu.vector_store %arg7[%swap3A_41, %swap3A_42], %swap3A_45 {strides = array<i32>} : memref<128x128xf32, #tpu.memory_space<vmem>>, vector<1x16xf32>,
      %swap3A_46 = arith.index_cast %scan3A_35 : i32 to index
      %swap3A_47 = arith.constant 32 : index
      %swap3A_48 = tpu.vector_load %arg7[%swap3A_46, %swap3A_47] {strides = array<i32>} : memref<128x128xf32, #tpu.memory_space<vmem>>, vector<1x16xf32>,
      %swap3A_49 = vector.shape_cast %swap3A_48 : vector<1x16xf32> to vector<16xf32>
      %swap3A_50 = vector.shape_cast %broadcast_in_dim3A_3 : vector<16xf32> to vector<1x16xf32>
      tpu.vector_store %arg7[%swap3A_46, %swap3A_47], %swap3A_50 {strides = array<i32>} : memref<128x128xf32, #tpu.memory_space<vmem>>, vector<1x16xf32>,
      %swap3A_51 = arith.index_cast %scan3A_35 : i32 to index
      %swap3A_52 = arith.constant 48 : index
      %swap3A_53 = tpu.vector_load %arg7[%swap3A_51, %swap3A_52] {strides = array<i32>} : memref<128x128xf32, #tpu.memory_space<vmem>>, vector<1x16xf32>,
      %swap3A_54 = vector.shape_cast %swap3A_53 : vector<1x16xf32> to vector<16xf32>
      %swap3A_55 = vector.shape_cast %broadcast_in_dim3A_3 : vector<16xf32> to vector<1x16xf32>
      tpu.vector_store %arg7[%swap3A_51, %swap3A_52], %swap3A_55 {strides = array<i32>} : memref<128x128xf32, #tpu.memory_space<vmem>>, vector<1x16xf32>,
      %swap3A_56 = arith.index_cast %scan3A_35 : i32 to index
      %swap3A_57 = arith.constant 64 : index
      %swap3A_58 = tpu.vector_load %arg7[%swap3A_56, %swap3A_57] {strides = array<i32>} : memref<128x128xf32, #tpu.memory_space<vmem>>, vector<1x16xf32>,
      %swap3A_59 = vector.shape_cast %swap3A_58 : vector<1x16xf32> to vector<16xf32>
      %swap3A_60 = vector.shape_cast %broadcast_in_dim3A_3 : vector<16xf32> to vector<1x16xf32>
      tpu.vector_store %arg7[%swap3A_56, %swap3A_57], %swap3A_60 {strides = array<i32>} : memref<128x128xf32, #tpu.memory_space<vmem>>, vector<1x16xf32>,
      %swap3A_61 = arith.index_cast %scan3A_35 : i32 to index
      %swap3A_62 = arith.constant 80 : index
      %swap3A_63 = tpu.vector_load %arg7[%swap3A_61, %swap3A_62] {strides = array<i32>} : memref<128x128xf32, #tpu.memory_space<vmem>>, vector<1x16xf32>,
      %swap3A_64 = vector.shape_cast %swap3A_63 : vector<1x16xf32> to vector<16xf32>
      %swap3A_65 = vector.shape_cast %broadcast_in_dim3A_3 : vector<16xf32> to vector<1x16xf32>
      tpu.vector_store %arg7[%swap3A_61, %swap3A_62], %swap3A_65 {strides = array<i32>} : memref<128x128xf32, #tpu.memory_space<vmem>>, vector<1x16xf32>,
      %swap3A_66 = arith.index_cast %scan3A_35 : i32 to index
      %swap3A_67 = arith.constant 96 : index
      %swap3A_68 = tpu.vector_load %arg7[%swap3A_66, %swap3A_67] {strides = array<i32>} : memref<128x128xf32, #tpu.memory_space<vmem>>, vector<1x16xf32>,
      %swap3A_69 = vector.shape_cast %swap3A_68 : vector<1x16xf32> to vector<16xf32>
      %swap3A_70 = vector.shape_cast %broadcast_in_dim3A_3 : vector<16xf32> to vector<1x16xf32>
      tpu.vector_store %arg7[%swap3A_66, %swap3A_67], %swap3A_70 {strides = array<i32>} : memref<128x128xf32, #tpu.memory_space<vmem>>, vector<1x16xf32>,
      %swap3A_71 = arith.index_cast %scan3A_35 : i32 to index
      %swap3A_72 = arith.constant 112 : index
      %swap3A_73 = tpu.vector_load %arg7[%swap3A_71, %swap3A_72] {strides = array<i32>} : memref<128x128xf32, #tpu.memory_space<vmem>>, vector<1x16xf32>,
      %swap3A_74 = vector.shape_cast %swap3A_73 : vector<1x16xf32> to vector<16xf32>
      %swap3A_75 = vector.shape_cast %broadcast_in_dim3A_3 : vector<16xf32> to vector<1x16xf32>
      tpu.vector_store %arg7[%swap3A_71, %swap3A_72], %swap3A_75 {strides = array<i32>} : memref<128x128xf32, #tpu.memory_space<vmem>>, vector<1x16xf32>,
      %scan3A_76 = arith.constant 0 : i32
      scf.yield %scan3A_76 : i32
    }
    %scan3A_9 = arith.constant 128 : i32
    %add3A_10 = arith.constant 0 : i32
    %add3A_11 = arith.addi %mul3A_2, %add3A_10 : i32
    "tpu.region"() ({
      %run_scoped3A = tpu.sem_alloc : memref<!tpu.dma_semaphore, #tpu.memory_space<semaphore_mem>>
      %dma_start3A = arith.constant 0 : i32
      %dma_start3A_35 = tpu.memref_slice %arg9[%add3A_11, %dma_start3A] : memref<10112x128xf32, #tpu.memory_space<vmem_shared>> -> memref<128x128xf32, #tpu.memory_space<vmem_shared>>
      %dma_start3A_36 = arith.constant 0 : i32
      %dma_start3A_37 = tpu.memref_slice %arg9[%add3A_11, %dma_start3A_36] : memref<10112x128xf32, #tpu.memory_space<vmem_shared>> -> memref<128x128xf32, #tpu.memory_space<vmem_shared>>
      tpu.enqueue_dma source(%arg7 : memref<128x128xf32, #tpu.memory_space<vmem>>) target(%dma_start3A_37 : memref<128x128xf32, #tpu.memory_space<vmem_shared>>) target_semaphore(%run_scoped3A : memref<!tpu.dma_semaphore, #tpu.memory_space<semaphore_mem>>)
      %dma_wait3A = arith.constant 0 : i32
      %dma_wait3A_38 = tpu.memref_slice %arg9[%add3A_11, %dma_wait3A] : memref<10112x128xf32, #tpu.memory_space<vmem_shared>> -> memref<128x128xf32, #tpu.memory_space<vmem_shared>>
      %dma_wait3A_39 = arith.constant 0 : i32
      %dma_wait3A_40 = tpu.memref_slice %arg9[%add3A_11, %dma_wait3A_39] : memref<10112x128xf32, #tpu.memory_space<vmem_shared>> -> memref<128x128xf32, #tpu.memory_space<vmem_shared>>
      tpu.wait_dma2 semaphore(%run_scoped3A : memref<!tpu.dma_semaphore, #tpu.memory_space<semaphore_mem>>) src(%arg7 : memref<128x128xf32, #tpu.memory_space<vmem>>) dst(%dma_wait3A_40 : memref<128x128xf32, #tpu.memory_space<vmem_shared>>)
      tpu.yield
    }) : () -> ()
    %add3A_12 = arith.constant 128 : i32
    %add3A_13 = arith.addi %mul3A_2, %add3A_12 : i32
    "tpu.region"() ({
      %run_scoped3A = tpu.sem_alloc : memref<!tpu.dma_semaphore, #tpu.memory_space<semaphore_mem>>
      %dma_start3A = arith.constant 0 : i32
      %dma_start3A_35 = tpu.memref_slice %arg9[%add3A_13, %dma_start3A] : memref<10112x128xf32, #tpu.memory_space<vmem_shared>> -> memref<128x128xf32, #tpu.memory_space<vmem_shared>>
      %dma_start3A_36 = arith.constant 0 : i32
      %dma_start3A_37 = tpu.memref_slice %arg9[%add3A_13, %dma_start3A_36] : memref<10112x128xf32, #tpu.memory_space<vmem_shared>> -> memref<128x128xf32, #tpu.memory_space<vmem_shared>>
      tpu.enqueue_dma source(%arg7 : memref<128x128xf32, #tpu.memory_space<vmem>>) target(%dma_start3A_37 : memref<128x128xf32, #tpu.memory_space<vmem_shared>>) target_semaphore(%run_scoped3A : memref<!tpu.dma_semaphore, #tpu.memory_space<semaphore_mem>>)
      %dma_wait3A = arith.constant 0 : i32
      %dma_wait3A_38 = tpu.memref_slice %arg9[%add3A_13, %dma_wait3A] : memref<10112x128xf32, #tpu.memory_space<vmem_shared>> -> memref<128x128xf32, #tpu.memory_space<vmem_shared>>
      %dma_wait3A_39 = arith.constant 0 : i32
      %dma_wait3A_40 = tpu.memref_slice %arg9[%add3A_13, %dma_wait3A_39] : memref<10112x128xf32, #tpu.memory_space<vmem_shared>> -> memref<128x128xf32, #tpu.memory_space<vmem_shared>>
      tpu.wait_dma2 semaphore(%run_scoped3A : memref<!tpu.dma_semaphore, #tpu.memory_space<semaphore_mem>>) src(%arg7 : memref<128x128xf32, #tpu.memory_space<vmem>>) dst(%dma_wait3A_40 : memref<128x128xf32, #tpu.memory_space<vmem_shared>>)
      tpu.yield
    }) : () -> ()
    %add3A_14 = arith.constant 256 : i32
    %add3A_15 = arith.addi %mul3A_2, %add3A_14 : i32
    "tpu.region"() ({
      %run_scoped3A = tpu.sem_alloc : memref<!tpu.dma_semaphore, #tpu.memory_space<semaphore_mem>>
      %dma_start3A = arith.constant 0 : i32
      %dma_start3A_35 = tpu.memref_slice %arg9[%add3A_15, %dma_start3A] : memref<10112x128xf32, #tpu.memory_space<vmem_shared>> -> memref<128x128xf32, #tpu.memory_space<vmem_shared>>
      %dma_start3A_36 = arith.constant 0 : i32
      %dma_start3A_37 = tpu.memref_slice %arg9[%add3A_15, %dma_start3A_36] : memref<10112x128xf32, #tpu.memory_space<vmem_shared>> -> memref<128x128xf32, #tpu.memory_space<vmem_shared>>
      tpu.enqueue_dma source(%arg7 : memref<128x128xf32, #tpu.memory_space<vmem>>) target(%dma_start3A_37 : memref<128x128xf32, #tpu.memory_space<vmem_shared>>) target_semaphore(%run_scoped3A : memref<!tpu.dma_semaphore, #tpu.memory_space<semaphore_mem>>)
      %dma_wait3A = arith.constant 0 : i32
      %dma_wait3A_38 = tpu.memref_slice %arg9[%add3A_15, %dma_wait3A] : memref<10112x128xf32, #tpu.memory_space<vmem_shared>> -> memref<128x128xf32, #tpu.memory_space<vmem_shared>>
      %dma_wait3A_39 = arith.constant 0 : i32
      %dma_wait3A_40 = tpu.memref_slice %arg9[%add3A_15, %dma_wait3A_39] : memref<10112x128xf32, #tpu.memory_space<vmem_shared>> -> memref<128x128xf32, #tpu.memory_space<vmem_shared>>
      tpu.wait_dma2 semaphore(%run_scoped3A : memref<!tpu.dma_semaphore, #tpu.memory_space<semaphore_mem>>) src(%arg7 : memref<128x128xf32, #tpu.memory_space<vmem>>) dst(%dma_wait3A_40 : memref<128x128xf32, #tpu.memory_space<vmem_shared>>)
      tpu.yield
    }) : () -> ()
    %add3A_16 = arith.constant 384 : i32
    %add3A_17 = arith.addi %mul3A_2, %add3A_16 : i32
    "tpu.region"() ({
      %run_scoped3A = tpu.sem_alloc : memref<!tpu.dma_semaphore, #tpu.memory_space<semaphore_mem>>
      %dma_start3A = arith.constant 0 : i32
      %dma_start3A_35 = tpu.memref_slice %arg9[%add3A_17, %dma_start3A] : memref<10112x128xf32, #tpu.memory_space<vmem_shared>> -> memref<128x128xf32, #tpu.memory_space<vmem_shared>>
      %dma_start3A_36 = arith.constant 0 : i32
      %dma_start3A_37 = tpu.memref_slice %arg9[%add3A_17, %dma_start3A_36] : memref<10112x128xf32, #tpu.memory_space<vmem_shared>> -> memref<128x128xf32, #tpu.memory_space<vmem_shared>>
      tpu.enqueue_dma source(%arg7 : memref<128x128xf32, #tpu.memory_space<vmem>>) target(%dma_start3A_37 : memref<128x128xf32, #tpu.memory_space<vmem_shared>>) target_semaphore(%run_scoped3A : memref<!tpu.dma_semaphore, #tpu.memory_space<semaphore_mem>>)
      %dma_wait3A = arith.constant 0 : i32
      %dma_wait3A_38 = tpu.memref_slice %arg9[%add3A_17, %dma_wait3A] : memref<10112x128xf32, #tpu.memory_space<vmem_shared>> -> memref<128x128xf32, #tpu.memory_space<vmem_shared>>
      %dma_wait3A_39 = arith.constant 0 : i32
      %dma_wait3A_40 = tpu.memref_slice %arg9[%add3A_17, %dma_wait3A_39] : memref<10112x128xf32, #tpu.memory_space<vmem_shared>> -> memref<128x128xf32, #tpu.memory_space<vmem_shared>>
      tpu.wait_dma2 semaphore(%run_scoped3A : memref<!tpu.dma_semaphore, #tpu.memory_space<semaphore_mem>>) src(%arg7 : memref<128x128xf32, #tpu.memory_space<vmem>>) dst(%dma_wait3A_40 : memref<128x128xf32, #tpu.memory_space<vmem_shared>>)
      tpu.yield
    }) : () -> ()
    %add3A_18 = arith.constant 512 : i32
    %add3A_19 = arith.addi %mul3A_2, %add3A_18 : i32
    "tpu.region"() ({
      %run_scoped3A = tpu.sem_alloc : memref<!tpu.dma_semaphore, #tpu.memory_space<semaphore_mem>>
      %dma_start3A = arith.constant 0 : i32
      %dma_start3A_35 = arith.constant 0 : i32
      %dma_start3A_36 = tpu.memref_slice %arg7[%dma_start3A, %dma_start3A_35] : memref<128x128xf32, #tpu.memory_space<vmem>> -> memref<120x128xf32, #tpu.memory_space<vmem>>
      %dma_start3A_37 = arith.constant 0 : i32
      %dma_start3A_38 = tpu.memref_slice %arg9[%add3A_19, %dma_start3A_37] : memref<10112x128xf32, #tpu.memory_space<vmem_shared>> -> memref<120x128xf32, #tpu.memory_space<vmem_shared>>
      %dma_start3A_39 = arith.constant 0 : i32
      %dma_start3A_40 = tpu.memref_slice %arg9[%add3A_19, %dma_start3A_39] : memref<10112x128xf32, #tpu.memory_space<vmem_shared>> -> memref<120x128xf32, #tpu.memory_space<vmem_shared>>
      %dma_start3A_41 = arith.constant 0 : i32
      %dma_start3A_42 = arith.constant 0 : i32
      %dma_start3A_43 = tpu.memref_slice %arg7[%dma_start3A_41, %dma_start3A_42] : memref<128x128xf32, #tpu.memory_space<vmem>> -> memref<120x128xf32, #tpu.memory_space<vmem>>
      tpu.enqueue_dma source(%dma_start3A_43 : memref<120x128xf32, #tpu.memory_space<vmem>>) target(%dma_start3A_40 : memref<120x128xf32, #tpu.memory_space<vmem_shared>>) target_semaphore(%run_scoped3A : memref<!tpu.dma_semaphore, #tpu.memory_space<semaphore_mem>>)
      %dma_wait3A = arith.constant 0 : i32
      %dma_wait3A_44 = arith.constant 0 : i32
      %dma_wait3A_45 = tpu.memref_slice %arg7[%dma_wait3A, %dma_wait3A_44] : memref<128x128xf32, #tpu.memory_space<vmem>> -> memref<120x128xf32, #tpu.memory_space<vmem>>
      %dma_wait3A_46 = arith.constant 0 : i32
      %dma_wait3A_47 = tpu.memref_slice %arg9[%add3A_19, %dma_wait3A_46] : memref<10112x128xf32, #tpu.memory_space<vmem_shared>> -> memref<120x128xf32, #tpu.memory_space<vmem_shared>>
      %dma_wait3A_48 = arith.constant 0 : i32
      %dma_wait3A_49 = tpu.memref_slice %arg9[%add3A_19, %dma_wait3A_48] : memref<10112x128xf32, #tpu.memory_space<vmem_shared>> -> memref<120x128xf32, #tpu.memory_space<vmem_shared>>
      %dma_wait3A_50 = arith.constant 0 : i32
      %dma_wait3A_51 = arith.constant 0 : i32
      %dma_wait3A_52 = tpu.memref_slice %arg7[%dma_wait3A_50, %dma_wait3A_51] : memref<128x128xf32, #tpu.memory_space<vmem>> -> memref<120x128xf32, #tpu.memory_space<vmem>>
      tpu.wait_dma2 semaphore(%run_scoped3A : memref<!tpu.dma_semaphore, #tpu.memory_space<semaphore_mem>>) src(%dma_wait3A_52 : memref<120x128xf32, #tpu.memory_space<vmem>>) dst(%dma_wait3A_49 : memref<120x128xf32, #tpu.memory_space<vmem_shared>>)
      tpu.yield
    }) : () -> ()
    "tpu.region"() ({
      %run_scoped3A = tpu.sem_alloc : memref<!tpu.dma_semaphore, #tpu.memory_space<semaphore_mem>>
      tpu.enqueue_dma source(%arg3 : memref<128x128xf32, #tpu.memory_space<hbm>>) target(%arg6 : memref<128x128xf32, #tpu.memory_space<vmem>>) target_semaphore(%run_scoped3A : memref<!tpu.dma_semaphore, #tpu.memory_space<semaphore_mem>>)
      tpu.wait_dma2 semaphore(%run_scoped3A : memref<!tpu.dma_semaphore, #tpu.memory_space<semaphore_mem>>) src(%arg3 : memref<128x128xf32, #tpu.memory_space<hbm>>) dst(%arg6 : memref<128x128xf32, #tpu.memory_space<vmem>>)
      tpu.yield
    }) : () -> ()
    "tpu.region"() ({
      %run_scoped3A = tpu.sem_alloc : memref<!tpu.dma_semaphore, #tpu.memory_space<semaphore_mem>>
      %dma_start3A = arith.constant 0 : i32
      %dma_start3A_35 = arith.constant 0 : i32
      %dma_start3A_36 = tpu.memref_slice %arg2[%add3A, %dma_start3A, %dma_start3A_35] : memref<32x80x128xi32, #tpu.memory_space<hbm>> -> memref<1x80x128xi32, #tpu.memory_space<hbm>>
      %dma_start3A_37 = tpu.memref_squeeze %dma_start3A_36 : memref<1x80x128xi32, #tpu.memory_space<hbm>> -> memref<80x128xi32, #tpu.memory_space<hbm>>
      %dma_start3A_38 = arith.constant 0 : i32
      %dma_start3A_39 = arith.constant 0 : i32
      %dma_start3A_40 = tpu.memref_slice %arg2[%add3A, %dma_start3A_38, %dma_start3A_39] : memref<32x80x128xi32, #tpu.memory_space<hbm>> -> memref<1x80x128xi32, #tpu.memory_space<hbm>>
      %dma_start3A_41 = tpu.memref_squeeze %dma_start3A_40 : memref<1x80x128xi32, #tpu.memory_space<hbm>> -> memref<80x128xi32, #tpu.memory_space<hbm>>
      tpu.enqueue_dma source(%dma_start3A_41 : memref<80x128xi32, #tpu.memory_space<hbm>>) target(%arg5 : memref<80x128xi32, #tpu.memory_space<vmem>>) target_semaphore(%run_scoped3A : memref<!tpu.dma_semaphore, #tpu.memory_space<semaphore_mem>>)
      %dma_wait3A = arith.constant 0 : i32
      %dma_wait3A_42 = arith.constant 0 : i32
      %dma_wait3A_43 = tpu.memref_slice %arg2[%add3A, %dma_wait3A, %dma_wait3A_42] : memref<32x80x128xi32, #tpu.memory_space<hbm>> -> memref<1x80x128xi32, #tpu.memory_space<hbm>>
      %dma_wait3A_44 = tpu.memref_squeeze %dma_wait3A_43 : memref<1x80x128xi32, #tpu.memory_space<hbm>> -> memref<80x128xi32, #tpu.memory_space<hbm>>
      %dma_wait3A_45 = arith.constant 0 : i32
      %dma_wait3A_46 = arith.constant 0 : i32
      %dma_wait3A_47 = tpu.memref_slice %arg2[%add3A, %dma_wait3A_45, %dma_wait3A_46] : memref<32x80x128xi32, #tpu.memory_space<hbm>> -> memref<1x80x128xi32, #tpu.memory_space<hbm>>
      %dma_wait3A_48 = tpu.memref_squeeze %dma_wait3A_47 : memref<1x80x128xi32, #tpu.memory_space<hbm>> -> memref<80x128xi32, #tpu.memory_space<hbm>>
      tpu.wait_dma2 semaphore(%run_scoped3A : memref<!tpu.dma_semaphore, #tpu.memory_space<semaphore_mem>>) src(%dma_wait3A_48 : memref<80x128xi32, #tpu.memory_space<hbm>>) dst(%arg5 : memref<80x128xi32, #tpu.memory_space<vmem>>)
      tpu.yield
    }) : () -> ()
    %barrier3A = arith.constant 0 : index
    tpu.barrier barrier_id(%barrier3A)
    %scan3A_20 = arith.constant 0 : i32
    %scan3A_21 = arith.constant 0 : i32
    %scan3A_22 = arith.constant 80 : i32
    %scan3A_23 = arith.addi %scan3A_21, %scan3A_22 : i32
    %scan3A_24 = arith.constant 1 : i32
    %scan3A_25 = scf.for %scan3A_35 = %scan3A_21 to %scan3A_23 step %scan3A_24 iter_args(%scan3A_36 = %scan3A_20) -> (i32)  : i32 {
      %dma_start3A = arith.constant 0 : i32
      %dma_start3A_37 = tpu.memref_slice %arg5[%scan3A_35, %dma_start3A] : memref<80x128xi32, #tpu.memory_space<vmem>> -> memref<1x128xi32, #tpu.memory_space<vmem>>
      %dma_start3A_38 = tpu.memref_squeeze %dma_start3A_37 : memref<1x128xi32, #tpu.memory_space<vmem>> -> memref<128xi32, #tpu.memory_space<vmem>>
      %dma_start3A_39 = arith.constant 0 : i32
      %dma_start3A_40 = arith.constant 0 : i32
      %dma_start3A_41 = tpu.memref_slice %arg9[%dma_start3A_39, %dma_start3A_40] : memref<10112x128xf32, #tpu.memory_space<vmem_shared>> -> memref<10112x128xf32, #tpu.memory_space<vmem_shared>>
      tpu.enqueue_indirect_dma source(%arg6 : memref<128x128xf32, #tpu.memory_space<vmem>>) target(%dma_start3A_41 : memref<10112x128xf32, #tpu.memory_space<vmem_shared>>) offsets(%dma_start3A_38 : memref<128xi32, #tpu.memory_space<vmem>>) semaphore(%arg8 : memref<!tpu.dma_semaphore, #tpu.memory_space<semaphore_mem>>) {add = true}
      %scan3A_42 = arith.constant 0 : i32
      scf.yield %scan3A_42 : i32
    }
    %scan3A_26 = arith.constant 80 : i32
    %scan3A_27 = arith.constant 0 : i32
    %scan3A_28 = arith.constant 0 : i32
    %scan3A_29 = arith.constant 80 : i32
    %scan3A_30 = arith.addi %scan3A_28, %scan3A_29 : i32
    %scan3A_31 = arith.constant 1 : i32
    %scan3A_32 = scf.for %scan3A_35 = %scan3A_28 to %scan3A_30 step %scan3A_31 iter_args(%scan3A_36 = %scan3A_27) -> (i32)  : i32 {
      %dma_wait3A = arith.constant 0 : i32
      %dma_wait3A_37 = tpu.memref_slice %arg5[%scan3A_35, %dma_wait3A] : memref<80x128xi32, #tpu.memory_space<vmem>> -> memref<1x128xi32, #tpu.memory_space<vmem>>
      %dma_wait3A_38 = tpu.memref_squeeze %dma_wait3A_37 : memref<1x128xi32, #tpu.memory_space<vmem>> -> memref<128xi32, #tpu.memory_space<vmem>>
      %dma_wait3A_39 = arith.constant 0 : i32
      %dma_wait3A_40 = arith.constant 0 : i32
      %dma_wait3A_41 = tpu.memref_slice %arg9[%dma_wait3A_39, %dma_wait3A_40] : memref<10112x128xf32, #tpu.memory_space<vmem_shared>> -> memref<10112x128xf32, #tpu.memory_space<vmem_shared>>
      tpu.wait_indirect_dma semaphore(%arg8 : memref<!tpu.dma_semaphore, #tpu.memory_space<semaphore_mem>>) src(%arg6 : memref<128x128xf32, #tpu.memory_space<vmem>>) dst(%dma_wait3A_41 : memref<10112x128xf32, #tpu.memory_space<vmem_shared>>)
      %scan3A_42 = arith.constant 0 : i32
      scf.yield %scan3A_42 : i32
    }
    %scan3A_33 = arith.constant 80 : i32
    %barrier3A_34 = arith.constant 0 : index
    tpu.barrier barrier_id(%barrier3A_34)
    "tpu.region"() ({
      %run_scoped3A = tpu.sem_alloc : memref<!tpu.dma_semaphore, #tpu.memory_space<semaphore_mem>>
      %dma_start3A = arith.constant 0 : i32
      %dma_start3A_35 = tpu.memref_slice %arg4[%arg0, %mul3A_2, %dma_start3A] : memref<2x10112x128xf32, #tpu.memory_space<hbm>> -> memref<1x632x128xf32, #tpu.memory_space<hbm>>
      %dma_start3A_36 = tpu.memref_squeeze %dma_start3A_35 : memref<1x632x128xf32, #tpu.memory_space<hbm>> -> memref<632x128xf32, #tpu.memory_space<hbm>>
      %dma_start3A_37 = arith.constant 0 : i32
      %dma_start3A_38 = tpu.memref_slice %arg9[%mul3A_2, %dma_start3A_37] : memref<10112x128xf32, #tpu.memory_space<vmem_shared>> -> memref<632x128xf32, #tpu.memory_space<vmem_shared>>
      tpu.enqueue_dma source(%dma_start3A_38 : memref<632x128xf32, #tpu.memory_space<vmem_shared>>) target(%dma_start3A_36 : memref<632x128xf32, #tpu.memory_space<hbm>>) target_semaphore(%run_scoped3A : memref<!tpu.dma_semaphore, #tpu.memory_space<semaphore_mem>>)
      %dma_wait3A = arith.constant 0 : i32
      %dma_wait3A_39 = tpu.memref_slice %arg4[%arg0, %mul3A_2, %dma_wait3A] : memref<2x10112x128xf32, #tpu.memory_space<hbm>> -> memref<1x632x128xf32, #tpu.memory_space<hbm>>
      %dma_wait3A_40 = tpu.memref_squeeze %dma_wait3A_39 : memref<1x632x128xf32, #tpu.memory_space<hbm>> -> memref<632x128xf32, #tpu.memory_space<hbm>>
      %dma_wait3A_41 = arith.constant 0 : i32
      %dma_wait3A_42 = tpu.memref_slice %arg9[%mul3A_2, %dma_wait3A_41] : memref<10112x128xf32, #tpu.memory_space<vmem_shared>> -> memref<632x128xf32, #tpu.memory_space<vmem_shared>>
      tpu.wait_dma2 semaphore(%run_scoped3A : memref<!tpu.dma_semaphore, #tpu.memory_space<semaphore_mem>>) src(%dma_wait3A_42 : memref<632x128xf32, #tpu.memory_space<vmem_shared>>) dst(%dma_wait3A_40 : memref<632x128xf32, #tpu.memory_space<hbm>>)
      tpu.yield
    }) : () -> ()
    return
  }
}

#map = affine_map<(d0, d1) -> (0, 0)>
#map1 = affine_map<(d0, d1) -> (0, 0, 0, 0, 0)>
#map2 = affine_map<(d0, d1) -> (0, 0, 0)>
module attributes {stable_mosaic.version = 14 : i64} {
  func.func @_spmm_body(%arg0: i32, %arg1: i32, %arg2: memref<10112x128xf32, #tpu.memory_space<hbm>>, %arg3: memref<32x4x2x20x128xi32, #tpu.memory_space<hbm>>, %arg4: memref<2x10112x128xf32, #tpu.memory_space<hbm>>, %arg5: memref<2x2x20x128xi32, #tpu.memory_space<vmem>>, %arg6: memref<2x128x128xf32, #tpu.memory_space<vmem>>, %arg7: memref<!tpu.dma_semaphore, #tpu.memory_space<semaphore_mem>>, %arg8: memref<!tpu.dma_semaphore, #tpu.memory_space<semaphore_mem>>, %arg9: memref<10112x128xf32, #tpu.memory_space<vmem_shared>>) attributes {dimension_semantics = [#tpu.dimension_semantics<core_parallel>, #tpu.dimension_semantics<subcore_parallel>], iteration_bounds = array<i64: 2, 16>, scalar_prefetch = 0 : i64, scratch_operands = 5 : i64, tpu.core_type = #tpu.core_type<sc_vector_subcore>, window_params = [{transform_indices = #map}, {transform_indices = #map1}, {transform_indices = #map2}]} {
    %mul3A = arith.constant 2 : i32
    %mul3A_0 = arith.muli %arg1, %mul3A : i32
    %add3A = arith.addi %mul3A_0, %arg0 : i32
    %mul3A_1 = arith.constant 632 : i32
    %mul3A_2 = arith.muli %arg1, %mul3A_1 : i32
    %dma_start3A = arith.constant 0 : i32
    %dma_start3A_3 = arith.constant 0 : i32
    %dma_start3A_4 = arith.constant 0 : i32
    %dma_start3A_5 = arith.constant 0 : i32
    %dma_start3A_6 = arith.constant 0 : i32
    %dma_start3A_7 = tpu.memref_slice %arg5[%dma_start3A_3, %dma_start3A_4, %dma_start3A_5, %dma_start3A_6] : memref<2x2x20x128xi32, #tpu.memory_space<vmem>> -> memref<1x2x20x128xi32, #tpu.memory_space<vmem>>
    %dma_start3A_8 = tpu.memref_squeeze %dma_start3A_7 : memref<1x2x20x128xi32, #tpu.memory_space<vmem>> -> memref<2x20x128xi32, #tpu.memory_space<vmem>>
    %dma_start3A_9 = arith.constant 0 : i32
    %dma_start3A_10 = arith.constant 0 : i32
    %dma_start3A_11 = arith.constant 0 : i32
    %dma_start3A_12 = tpu.memref_slice %arg3[%add3A, %dma_start3A, %dma_start3A_9, %dma_start3A_10, %dma_start3A_11] : memref<32x4x2x20x128xi32, #tpu.memory_space<hbm>> -> memref<1x1x2x20x128xi32, #tpu.memory_space<hbm>>
    %dma_start3A_13 = tpu.memref_squeeze %dma_start3A_12 : memref<1x1x2x20x128xi32, #tpu.memory_space<hbm>> -> memref<2x20x128xi32, #tpu.memory_space<hbm>>
    %dma_start3A_14 = arith.constant 0 : i32
    %dma_start3A_15 = arith.constant 0 : i32
    %dma_start3A_16 = arith.constant 0 : i32
    %dma_start3A_17 = tpu.memref_slice %arg5[%dma_start3A_3, %dma_start3A_14, %dma_start3A_15, %dma_start3A_16] : memref<2x2x20x128xi32, #tpu.memory_space<vmem>> -> memref<1x2x20x128xi32, #tpu.memory_space<vmem>>
    %dma_start3A_18 = tpu.memref_squeeze %dma_start3A_17 : memref<1x2x20x128xi32, #tpu.memory_space<vmem>> -> memref<2x20x128xi32, #tpu.memory_space<vmem>>
    %dma_start3A_19 = arith.constant 0 : i32
    %dma_start3A_20 = arith.constant 0 : i32
    %dma_start3A_21 = arith.constant 0 : i32
    %dma_start3A_22 = tpu.memref_slice %arg3[%add3A, %dma_start3A, %dma_start3A_19, %dma_start3A_20, %dma_start3A_21] : memref<32x4x2x20x128xi32, #tpu.memory_space<hbm>> -> memref<1x1x2x20x128xi32, #tpu.memory_space<hbm>>
    %dma_start3A_23 = tpu.memref_squeeze %dma_start3A_22 : memref<1x1x2x20x128xi32, #tpu.memory_space<hbm>> -> memref<2x20x128xi32, #tpu.memory_space<hbm>>
    tpu.enqueue_dma source(%dma_start3A_23 : memref<2x20x128xi32, #tpu.memory_space<hbm>>) target(%dma_start3A_18 : memref<2x20x128xi32, #tpu.memory_space<vmem>>) target_semaphore(%arg7 : memref<!tpu.dma_semaphore, #tpu.memory_space<semaphore_mem>>)
    %eq3A = arith.constant 0 : i32
    %eq3A_24 = arith.cmpi eq, %arg0, %eq3A : i32
    %convert_element_type3A = arith.extui %eq3A_24 : i1 to i32
    %cond3A = arith.constant 0 : i32
    %cond3A_25 = arith.cmpi ne, %convert_element_type3A, %cond3A : i32
    scf.if %cond3A_25 {
      "tpu.region"() ({
        %run_scoped3A = tpu.sem_alloc : memref<!tpu.dma_semaphore, #tpu.memory_space<semaphore_mem>>
        %dma_start3A_40 = arith.constant 0 : i32
        %dma_start3A_41 = tpu.memref_slice %arg9[%mul3A_2, %dma_start3A_40] : memref<10112x128xf32, #tpu.memory_space<vmem_shared>> -> memref<632x128xf32, #tpu.memory_space<vmem_shared>>
        %dma_start3A_42 = arith.constant 0 : i32
        %dma_start3A_43 = tpu.memref_slice %arg2[%mul3A_2, %dma_start3A_42] : memref<10112x128xf32, #tpu.memory_space<hbm>> -> memref<632x128xf32, #tpu.memory_space<hbm>>
        tpu.enqueue_dma source(%dma_start3A_43 : memref<632x128xf32, #tpu.memory_space<hbm>>) target(%dma_start3A_41 : memref<632x128xf32, #tpu.memory_space<vmem_shared>>) target_semaphore(%run_scoped3A : memref<!tpu.dma_semaphore, #tpu.memory_space<semaphore_mem>>)
        %dma_wait3A = arith.constant 0 : i32
        %dma_wait3A_44 = tpu.memref_slice %arg9[%mul3A_2, %dma_wait3A] : memref<10112x128xf32, #tpu.memory_space<vmem_shared>> -> memref<632x128xf32, #tpu.memory_space<vmem_shared>>
        %dma_wait3A_45 = arith.constant 0 : i32
        %dma_wait3A_46 = tpu.memref_slice %arg2[%mul3A_2, %dma_wait3A_45] : memref<10112x128xf32, #tpu.memory_space<hbm>> -> memref<632x128xf32, #tpu.memory_space<hbm>>
        tpu.wait_dma2 semaphore(%run_scoped3A : memref<!tpu.dma_semaphore, #tpu.memory_space<semaphore_mem>>) src(%dma_wait3A_46 : memref<632x128xf32, #tpu.memory_space<hbm>>) dst(%dma_wait3A_44 : memref<632x128xf32, #tpu.memory_space<vmem_shared>>)
        tpu.yield
      }) : () -> ()
    } else {
    }
    %eq3A_26 = arith.constant 1 : i32
    %eq3A_27 = arith.cmpi eq, %arg0, %eq3A_26 : i32
    %convert_element_type3A_28 = arith.extui %eq3A_27 : i1 to i32
    %cond3A_29 = arith.constant 0 : i32
    %cond3A_30 = arith.cmpi ne, %convert_element_type3A_28, %cond3A_29 : i32
    scf.if %cond3A_30 {
      %broadcast_in_dim3A = arith.constant 0.000000e+00 : f32
      %broadcast_in_dim3A_40 = vector.broadcast %broadcast_in_dim3A : f32 to vector<16xf32>
      %scan3A_41 = arith.constant 0 : i32
      %scan3A_42 = arith.constant 0 : i32
      %scan3A_43 = arith.constant 128 : i32
      %scan3A_44 = arith.addi %scan3A_42, %scan3A_43 : i32
      %scan3A_45 = arith.constant 1 : i32
      %scan3A_46 = scf.for %scan3A_62 = %scan3A_42 to %scan3A_44 step %scan3A_45 iter_args(%scan3A_63 = %scan3A_41) -> (i32)  : i32 {
        %swap3A = arith.constant 0 : i32
        %swap3A_64 = arith.index_cast %swap3A : i32 to index
        %swap3A_65 = arith.index_cast %scan3A_62 : i32 to index
        %swap3A_66 = arith.constant 0 : index
        %swap3A_67 = tpu.vector_load %arg6[%swap3A_64, %swap3A_65, %swap3A_66] {strides = array<i32>} : memref<2x128x128xf32, #tpu.memory_space<vmem>>, vector<1x1x16xf32>,
        %swap3A_68 = vector.shape_cast %swap3A_67 : vector<1x1x16xf32> to vector<16xf32>
        %swap3A_69 = vector.shape_cast %broadcast_in_dim3A_40 : vector<16xf32> to vector<1x1x16xf32>
        tpu.vector_store %arg6[%swap3A_64, %swap3A_65, %swap3A_66], %swap3A_69 {strides = array<i32>} : memref<2x128x128xf32, #tpu.memory_space<vmem>>, vector<1x1x16xf32>,
        %swap3A_70 = arith.constant 0 : i32
        %swap3A_71 = arith.index_cast %swap3A_70 : i32 to index
        %swap3A_72 = arith.index_cast %scan3A_62 : i32 to index
        %swap3A_73 = arith.constant 16 : index
        %swap3A_74 = tpu.vector_load %arg6[%swap3A_71, %swap3A_72, %swap3A_73] {strides = array<i32>} : memref<2x128x128xf32, #tpu.memory_space<vmem>>, vector<1x1x16xf32>,
        %swap3A_75 = vector.shape_cast %swap3A_74 : vector<1x1x16xf32> to vector<16xf32>
        %swap3A_76 = vector.shape_cast %broadcast_in_dim3A_40 : vector<16xf32> to vector<1x1x16xf32>
        tpu.vector_store %arg6[%swap3A_71, %swap3A_72, %swap3A_73], %swap3A_76 {strides = array<i32>} : memref<2x128x128xf32, #tpu.memory_space<vmem>>, vector<1x1x16xf32>,
        %swap3A_77 = arith.constant 0 : i32
        %swap3A_78 = arith.index_cast %swap3A_77 : i32 to index
        %swap3A_79 = arith.index_cast %scan3A_62 : i32 to index
        %swap3A_80 = arith.constant 32 : index
        %swap3A_81 = tpu.vector_load %arg6[%swap3A_78, %swap3A_79, %swap3A_80] {strides = array<i32>} : memref<2x128x128xf32, #tpu.memory_space<vmem>>, vector<1x1x16xf32>,
        %swap3A_82 = vector.shape_cast %swap3A_81 : vector<1x1x16xf32> to vector<16xf32>
        %swap3A_83 = vector.shape_cast %broadcast_in_dim3A_40 : vector<16xf32> to vector<1x1x16xf32>
        tpu.vector_store %arg6[%swap3A_78, %swap3A_79, %swap3A_80], %swap3A_83 {strides = array<i32>} : memref<2x128x128xf32, #tpu.memory_space<vmem>>, vector<1x1x16xf32>,
        %swap3A_84 = arith.constant 0 : i32
        %swap3A_85 = arith.index_cast %swap3A_84 : i32 to index
        %swap3A_86 = arith.index_cast %scan3A_62 : i32 to index
        %swap3A_87 = arith.constant 48 : index
        %swap3A_88 = tpu.vector_load %arg6[%swap3A_85, %swap3A_86, %swap3A_87] {strides = array<i32>} : memref<2x128x128xf32, #tpu.memory_space<vmem>>, vector<1x1x16xf32>,
        %swap3A_89 = vector.shape_cast %swap3A_88 : vector<1x1x16xf32> to vector<16xf32>
        %swap3A_90 = vector.shape_cast %broadcast_in_dim3A_40 : vector<16xf32> to vector<1x1x16xf32>
        tpu.vector_store %arg6[%swap3A_85, %swap3A_86, %swap3A_87], %swap3A_90 {strides = array<i32>} : memref<2x128x128xf32, #tpu.memory_space<vmem>>, vector<1x1x16xf32>,
        %swap3A_91 = arith.constant 0 : i32
        %swap3A_92 = arith.index_cast %swap3A_91 : i32 to index
        %swap3A_93 = arith.index_cast %scan3A_62 : i32 to index
        %swap3A_94 = arith.constant 64 : index
        %swap3A_95 = tpu.vector_load %arg6[%swap3A_92, %swap3A_93, %swap3A_94] {strides = array<i32>} : memref<2x128x128xf32, #tpu.memory_space<vmem>>, vector<1x1x16xf32>,
        %swap3A_96 = vector.shape_cast %swap3A_95 : vector<1x1x16xf32> to vector<16xf32>
        %swap3A_97 = vector.shape_cast %broadcast_in_dim3A_40 : vector<16xf32> to vector<1x1x16xf32>
        tpu.vector_store %arg6[%swap3A_92, %swap3A_93, %swap3A_94], %swap3A_97 {strides = array<i32>} : memref<2x128x128xf32, #tpu.memory_space<vmem>>, vector<1x1x16xf32>,
        %swap3A_98 = arith.constant 0 : i32
        %swap3A_99 = arith.index_cast %swap3A_98 : i32 to index
        %swap3A_100 = arith.index_cast %scan3A_62 : i32 to index
        %swap3A_101 = arith.constant 80 : index
        %swap3A_102 = tpu.vector_load %arg6[%swap3A_99, %swap3A_100, %swap3A_101] {strides = array<i32>} : memref<2x128x128xf32, #tpu.memory_space<vmem>>, vector<1x1x16xf32>,
        %swap3A_103 = vector.shape_cast %swap3A_102 : vector<1x1x16xf32> to vector<16xf32>
        %swap3A_104 = vector.shape_cast %broadcast_in_dim3A_40 : vector<16xf32> to vector<1x1x16xf32>
        tpu.vector_store %arg6[%swap3A_99, %swap3A_100, %swap3A_101], %swap3A_104 {strides = array<i32>} : memref<2x128x128xf32, #tpu.memory_space<vmem>>, vector<1x1x16xf32>,
        %swap3A_105 = arith.constant 0 : i32
        %swap3A_106 = arith.index_cast %swap3A_105 : i32 to index
        %swap3A_107 = arith.index_cast %scan3A_62 : i32 to index
        %swap3A_108 = arith.constant 96 : index
        %swap3A_109 = tpu.vector_load %arg6[%swap3A_106, %swap3A_107, %swap3A_108] {strides = array<i32>} : memref<2x128x128xf32, #tpu.memory_space<vmem>>, vector<1x1x16xf32>,
        %swap3A_110 = vector.shape_cast %swap3A_109 : vector<1x1x16xf32> to vector<16xf32>
        %swap3A_111 = vector.shape_cast %broadcast_in_dim3A_40 : vector<16xf32> to vector<1x1x16xf32>
        tpu.vector_store %arg6[%swap3A_106, %swap3A_107, %swap3A_108], %swap3A_111 {strides = array<i32>} : memref<2x128x128xf32, #tpu.memory_space<vmem>>, vector<1x1x16xf32>,
        %swap3A_112 = arith.constant 0 : i32
        %swap3A_113 = arith.index_cast %swap3A_112 : i32 to index
        %swap3A_114 = arith.index_cast %scan3A_62 : i32 to index
        %swap3A_115 = arith.constant 112 : index
        %swap3A_116 = tpu.vector_load %arg6[%swap3A_113, %swap3A_114, %swap3A_115] {strides = array<i32>} : memref<2x128x128xf32, #tpu.memory_space<vmem>>, vector<1x1x16xf32>,
        %swap3A_117 = vector.shape_cast %swap3A_116 : vector<1x1x16xf32> to vector<16xf32>
        %swap3A_118 = vector.shape_cast %broadcast_in_dim3A_40 : vector<16xf32> to vector<1x1x16xf32>
        tpu.vector_store %arg6[%swap3A_113, %swap3A_114, %swap3A_115], %swap3A_118 {strides = array<i32>} : memref<2x128x128xf32, #tpu.memory_space<vmem>>, vector<1x1x16xf32>,
        %scan3A_119 = arith.constant 0 : i32
        scf.yield %scan3A_119 : i32
      }
      %scan3A_47 = arith.constant 128 : i32
      %add3A_48 = arith.constant 0 : i32
      %add3A_49 = arith.addi %mul3A_2, %add3A_48 : i32
      %run_scoped3A = arith.constant 0 : i32
      "tpu.region"() ({
        %run_scoped3A_62 = tpu.sem_alloc : memref<!tpu.dma_semaphore, #tpu.memory_space<semaphore_mem>>
        %dma_start3A_63 = arith.constant 0 : i32
        %dma_start3A_64 = arith.constant 0 : i32
        %dma_start3A_65 = tpu.memref_slice %arg6[%run_scoped3A, %dma_start3A_63, %dma_start3A_64] : memref<2x128x128xf32, #tpu.memory_space<vmem>> -> memref<1x128x128xf32, #tpu.memory_space<vmem>>
        %dma_start3A_66 = tpu.memref_squeeze %dma_start3A_65 : memref<1x128x128xf32, #tpu.memory_space<vmem>> -> memref<128x128xf32, #tpu.memory_space<vmem>>
        %dma_start3A_67 = arith.constant 0 : i32
        %dma_start3A_68 = tpu.memref_slice %arg9[%add3A_49, %dma_start3A_67] : memref<10112x128xf32, #tpu.memory_space<vmem_shared>> -> memref<128x128xf32, #tpu.memory_space<vmem_shared>>
        %dma_start3A_69 = arith.constant 0 : i32
        %dma_start3A_70 = tpu.memref_slice %arg9[%add3A_49, %dma_start3A_69] : memref<10112x128xf32, #tpu.memory_space<vmem_shared>> -> memref<128x128xf32, #tpu.memory_space<vmem_shared>>
        %dma_start3A_71 = arith.constant 0 : i32
        %dma_start3A_72 = arith.constant 0 : i32
        %dma_start3A_73 = tpu.memref_slice %arg6[%run_scoped3A, %dma_start3A_71, %dma_start3A_72] : memref<2x128x128xf32, #tpu.memory_space<vmem>> -> memref<1x128x128xf32, #tpu.memory_space<vmem>>
        %dma_start3A_74 = tpu.memref_squeeze %dma_start3A_73 : memref<1x128x128xf32, #tpu.memory_space<vmem>> -> memref<128x128xf32, #tpu.memory_space<vmem>>
        tpu.enqueue_dma source(%dma_start3A_74 : memref<128x128xf32, #tpu.memory_space<vmem>>) target(%dma_start3A_70 : memref<128x128xf32, #tpu.memory_space<vmem_shared>>) target_semaphore(%run_scoped3A_62 : memref<!tpu.dma_semaphore, #tpu.memory_space<semaphore_mem>>)
        %dma_wait3A = arith.constant 0 : i32
        %dma_wait3A_75 = arith.constant 0 : i32
        %dma_wait3A_76 = tpu.memref_slice %arg6[%run_scoped3A, %dma_wait3A, %dma_wait3A_75] : memref<2x128x128xf32, #tpu.memory_space<vmem>> -> memref<1x128x128xf32, #tpu.memory_space<vmem>>
        %dma_wait3A_77 = tpu.memref_squeeze %dma_wait3A_76 : memref<1x128x128xf32, #tpu.memory_space<vmem>> -> memref<128x128xf32, #tpu.memory_space<vmem>>
        %dma_wait3A_78 = arith.constant 0 : i32
        %dma_wait3A_79 = tpu.memref_slice %arg9[%add3A_49, %dma_wait3A_78] : memref<10112x128xf32, #tpu.memory_space<vmem_shared>> -> memref<128x128xf32, #tpu.memory_space<vmem_shared>>
        %dma_wait3A_80 = arith.constant 0 : i32
        %dma_wait3A_81 = tpu.memref_slice %arg9[%add3A_49, %dma_wait3A_80] : memref<10112x128xf32, #tpu.memory_space<vmem_shared>> -> memref<128x128xf32, #tpu.memory_space<vmem_shared>>
        %dma_wait3A_82 = arith.constant 0 : i32
        %dma_wait3A_83 = arith.constant 0 : i32
        %dma_wait3A_84 = tpu.memref_slice %arg6[%run_scoped3A, %dma_wait3A_82, %dma_wait3A_83] : memref<2x128x128xf32, #tpu.memory_space<vmem>> -> memref<1x128x128xf32, #tpu.memory_space<vmem>>
        %dma_wait3A_85 = tpu.memref_squeeze %dma_wait3A_84 : memref<1x128x128xf32, #tpu.memory_space<vmem>> -> memref<128x128xf32, #tpu.memory_space<vmem>>
        tpu.wait_dma2 semaphore(%run_scoped3A_62 : memref<!tpu.dma_semaphore, #tpu.memory_space<semaphore_mem>>) src(%dma_wait3A_85 : memref<128x128xf32, #tpu.memory_space<vmem>>) dst(%dma_wait3A_81 : memref<128x128xf32, #tpu.memory_space<vmem_shared>>)
        tpu.yield
      }) : () -> ()
      %add3A_50 = arith.constant 128 : i32
      %add3A_51 = arith.addi %mul3A_2, %add3A_50 : i32
      %run_scoped3A_52 = arith.constant 0 : i32
      "tpu.region"() ({
        %run_scoped3A_62 = tpu.sem_alloc : memref<!tpu.dma_semaphore, #tpu.memory_space<semaphore_mem>>
        %dma_start3A_63 = arith.constant 0 : i32
        %dma_start3A_64 = arith.constant 0 : i32
        %dma_start3A_65 = tpu.memref_slice %arg6[%run_scoped3A_52, %dma_start3A_63, %dma_start3A_64] : memref<2x128x128xf32, #tpu.memory_space<vmem>> -> memref<1x128x128xf32, #tpu.memory_space<vmem>>
        %dma_start3A_66 = tpu.memref_squeeze %dma_start3A_65 : memref<1x128x128xf32, #tpu.memory_space<vmem>> -> memref<128x128xf32, #tpu.memory_space<vmem>>
        %dma_start3A_67 = arith.constant 0 : i32
        %dma_start3A_68 = tpu.memref_slice %arg9[%add3A_51, %dma_start3A_67] : memref<10112x128xf32, #tpu.memory_space<vmem_shared>> -> memref<128x128xf32, #tpu.memory_space<vmem_shared>>
        %dma_start3A_69 = arith.constant 0 : i32
        %dma_start3A_70 = tpu.memref_slice %arg9[%add3A_51, %dma_start3A_69] : memref<10112x128xf32, #tpu.memory_space<vmem_shared>> -> memref<128x128xf32, #tpu.memory_space<vmem_shared>>
        %dma_start3A_71 = arith.constant 0 : i32
        %dma_start3A_72 = arith.constant 0 : i32
        %dma_start3A_73 = tpu.memref_slice %arg6[%run_scoped3A_52, %dma_start3A_71, %dma_start3A_72] : memref<2x128x128xf32, #tpu.memory_space<vmem>> -> memref<1x128x128xf32, #tpu.memory_space<vmem>>
        %dma_start3A_74 = tpu.memref_squeeze %dma_start3A_73 : memref<1x128x128xf32, #tpu.memory_space<vmem>> -> memref<128x128xf32, #tpu.memory_space<vmem>>
        tpu.enqueue_dma source(%dma_start3A_74 : memref<128x128xf32, #tpu.memory_space<vmem>>) target(%dma_start3A_70 : memref<128x128xf32, #tpu.memory_space<vmem_shared>>) target_semaphore(%run_scoped3A_62 : memref<!tpu.dma_semaphore, #tpu.memory_space<semaphore_mem>>)
        %dma_wait3A = arith.constant 0 : i32
        %dma_wait3A_75 = arith.constant 0 : i32
        %dma_wait3A_76 = tpu.memref_slice %arg6[%run_scoped3A_52, %dma_wait3A, %dma_wait3A_75] : memref<2x128x128xf32, #tpu.memory_space<vmem>> -> memref<1x128x128xf32, #tpu.memory_space<vmem>>
        %dma_wait3A_77 = tpu.memref_squeeze %dma_wait3A_76 : memref<1x128x128xf32, #tpu.memory_space<vmem>> -> memref<128x128xf32, #tpu.memory_space<vmem>>
        %dma_wait3A_78 = arith.constant 0 : i32
        %dma_wait3A_79 = tpu.memref_slice %arg9[%add3A_51, %dma_wait3A_78] : memref<10112x128xf32, #tpu.memory_space<vmem_shared>> -> memref<128x128xf32, #tpu.memory_space<vmem_shared>>
        %dma_wait3A_80 = arith.constant 0 : i32
        %dma_wait3A_81 = tpu.memref_slice %arg9[%add3A_51, %dma_wait3A_80] : memref<10112x128xf32, #tpu.memory_space<vmem_shared>> -> memref<128x128xf32, #tpu.memory_space<vmem_shared>>
        %dma_wait3A_82 = arith.constant 0 : i32
        %dma_wait3A_83 = arith.constant 0 : i32
        %dma_wait3A_84 = tpu.memref_slice %arg6[%run_scoped3A_52, %dma_wait3A_82, %dma_wait3A_83] : memref<2x128x128xf32, #tpu.memory_space<vmem>> -> memref<1x128x128xf32, #tpu.memory_space<vmem>>
        %dma_wait3A_85 = tpu.memref_squeeze %dma_wait3A_84 : memref<1x128x128xf32, #tpu.memory_space<vmem>> -> memref<128x128xf32, #tpu.memory_space<vmem>>
        tpu.wait_dma2 semaphore(%run_scoped3A_62 : memref<!tpu.dma_semaphore, #tpu.memory_space<semaphore_mem>>) src(%dma_wait3A_85 : memref<128x128xf32, #tpu.memory_space<vmem>>) dst(%dma_wait3A_81 : memref<128x128xf32, #tpu.memory_space<vmem_shared>>)
        tpu.yield
      }) : () -> ()
      %add3A_53 = arith.constant 256 : i32
      %add3A_54 = arith.addi %mul3A_2, %add3A_53 : i32
      %run_scoped3A_55 = arith.constant 0 : i32
      "tpu.region"() ({
        %run_scoped3A_62 = tpu.sem_alloc : memref<!tpu.dma_semaphore, #tpu.memory_space<semaphore_mem>>
        %dma_start3A_63 = arith.constant 0 : i32
        %dma_start3A_64 = arith.constant 0 : i32
        %dma_start3A_65 = tpu.memref_slice %arg6[%run_scoped3A_55, %dma_start3A_63, %dma_start3A_64] : memref<2x128x128xf32, #tpu.memory_space<vmem>> -> memref<1x128x128xf32, #tpu.memory_space<vmem>>
        %dma_start3A_66 = tpu.memref_squeeze %dma_start3A_65 : memref<1x128x128xf32, #tpu.memory_space<vmem>> -> memref<128x128xf32, #tpu.memory_space<vmem>>
        %dma_start3A_67 = arith.constant 0 : i32
        %dma_start3A_68 = tpu.memref_slice %arg9[%add3A_54, %dma_start3A_67] : memref<10112x128xf32, #tpu.memory_space<vmem_shared>> -> memref<128x128xf32, #tpu.memory_space<vmem_shared>>
        %dma_start3A_69 = arith.constant 0 : i32
        %dma_start3A_70 = tpu.memref_slice %arg9[%add3A_54, %dma_start3A_69] : memref<10112x128xf32, #tpu.memory_space<vmem_shared>> -> memref<128x128xf32, #tpu.memory_space<vmem_shared>>
        %dma_start3A_71 = arith.constant 0 : i32
        %dma_start3A_72 = arith.constant 0 : i32
        %dma_start3A_73 = tpu.memref_slice %arg6[%run_scoped3A_55, %dma_start3A_71, %dma_start3A_72] : memref<2x128x128xf32, #tpu.memory_space<vmem>> -> memref<1x128x128xf32, #tpu.memory_space<vmem>>
        %dma_start3A_74 = tpu.memref_squeeze %dma_start3A_73 : memref<1x128x128xf32, #tpu.memory_space<vmem>> -> memref<128x128xf32, #tpu.memory_space<vmem>>
        tpu.enqueue_dma source(%dma_start3A_74 : memref<128x128xf32, #tpu.memory_space<vmem>>) target(%dma_start3A_70 : memref<128x128xf32, #tpu.memory_space<vmem_shared>>) target_semaphore(%run_scoped3A_62 : memref<!tpu.dma_semaphore, #tpu.memory_space<semaphore_mem>>)
        %dma_wait3A = arith.constant 0 : i32
        %dma_wait3A_75 = arith.constant 0 : i32
        %dma_wait3A_76 = tpu.memref_slice %arg6[%run_scoped3A_55, %dma_wait3A, %dma_wait3A_75] : memref<2x128x128xf32, #tpu.memory_space<vmem>> -> memref<1x128x128xf32, #tpu.memory_space<vmem>>
        %dma_wait3A_77 = tpu.memref_squeeze %dma_wait3A_76 : memref<1x128x128xf32, #tpu.memory_space<vmem>> -> memref<128x128xf32, #tpu.memory_space<vmem>>
        %dma_wait3A_78 = arith.constant 0 : i32
        %dma_wait3A_79 = tpu.memref_slice %arg9[%add3A_54, %dma_wait3A_78] : memref<10112x128xf32, #tpu.memory_space<vmem_shared>> -> memref<128x128xf32, #tpu.memory_space<vmem_shared>>
        %dma_wait3A_80 = arith.constant 0 : i32
        %dma_wait3A_81 = tpu.memref_slice %arg9[%add3A_54, %dma_wait3A_80] : memref<10112x128xf32, #tpu.memory_space<vmem_shared>> -> memref<128x128xf32, #tpu.memory_space<vmem_shared>>
        %dma_wait3A_82 = arith.constant 0 : i32
        %dma_wait3A_83 = arith.constant 0 : i32
        %dma_wait3A_84 = tpu.memref_slice %arg6[%run_scoped3A_55, %dma_wait3A_82, %dma_wait3A_83] : memref<2x128x128xf32, #tpu.memory_space<vmem>> -> memref<1x128x128xf32, #tpu.memory_space<vmem>>
        %dma_wait3A_85 = tpu.memref_squeeze %dma_wait3A_84 : memref<1x128x128xf32, #tpu.memory_space<vmem>> -> memref<128x128xf32, #tpu.memory_space<vmem>>
        tpu.wait_dma2 semaphore(%run_scoped3A_62 : memref<!tpu.dma_semaphore, #tpu.memory_space<semaphore_mem>>) src(%dma_wait3A_85 : memref<128x128xf32, #tpu.memory_space<vmem>>) dst(%dma_wait3A_81 : memref<128x128xf32, #tpu.memory_space<vmem_shared>>)
        tpu.yield
      }) : () -> ()
      %add3A_56 = arith.constant 384 : i32
      %add3A_57 = arith.addi %mul3A_2, %add3A_56 : i32
      %run_scoped3A_58 = arith.constant 0 : i32
      "tpu.region"() ({
        %run_scoped3A_62 = tpu.sem_alloc : memref<!tpu.dma_semaphore, #tpu.memory_space<semaphore_mem>>
        %dma_start3A_63 = arith.constant 0 : i32
        %dma_start3A_64 = arith.constant 0 : i32
        %dma_start3A_65 = tpu.memref_slice %arg6[%run_scoped3A_58, %dma_start3A_63, %dma_start3A_64] : memref<2x128x128xf32, #tpu.memory_space<vmem>> -> memref<1x128x128xf32, #tpu.memory_space<vmem>>
        %dma_start3A_66 = tpu.memref_squeeze %dma_start3A_65 : memref<1x128x128xf32, #tpu.memory_space<vmem>> -> memref<128x128xf32, #tpu.memory_space<vmem>>
        %dma_start3A_67 = arith.constant 0 : i32
        %dma_start3A_68 = tpu.memref_slice %arg9[%add3A_57, %dma_start3A_67] : memref<10112x128xf32, #tpu.memory_space<vmem_shared>> -> memref<128x128xf32, #tpu.memory_space<vmem_shared>>
        %dma_start3A_69 = arith.constant 0 : i32
        %dma_start3A_70 = tpu.memref_slice %arg9[%add3A_57, %dma_start3A_69] : memref<10112x128xf32, #tpu.memory_space<vmem_shared>> -> memref<128x128xf32, #tpu.memory_space<vmem_shared>>
        %dma_start3A_71 = arith.constant 0 : i32
        %dma_start3A_72 = arith.constant 0 : i32
        %dma_start3A_73 = tpu.memref_slice %arg6[%run_scoped3A_58, %dma_start3A_71, %dma_start3A_72] : memref<2x128x128xf32, #tpu.memory_space<vmem>> -> memref<1x128x128xf32, #tpu.memory_space<vmem>>
        %dma_start3A_74 = tpu.memref_squeeze %dma_start3A_73 : memref<1x128x128xf32, #tpu.memory_space<vmem>> -> memref<128x128xf32, #tpu.memory_space<vmem>>
        tpu.enqueue_dma source(%dma_start3A_74 : memref<128x128xf32, #tpu.memory_space<vmem>>) target(%dma_start3A_70 : memref<128x128xf32, #tpu.memory_space<vmem_shared>>) target_semaphore(%run_scoped3A_62 : memref<!tpu.dma_semaphore, #tpu.memory_space<semaphore_mem>>)
        %dma_wait3A = arith.constant 0 : i32
        %dma_wait3A_75 = arith.constant 0 : i32
        %dma_wait3A_76 = tpu.memref_slice %arg6[%run_scoped3A_58, %dma_wait3A, %dma_wait3A_75] : memref<2x128x128xf32, #tpu.memory_space<vmem>> -> memref<1x128x128xf32, #tpu.memory_space<vmem>>
        %dma_wait3A_77 = tpu.memref_squeeze %dma_wait3A_76 : memref<1x128x128xf32, #tpu.memory_space<vmem>> -> memref<128x128xf32, #tpu.memory_space<vmem>>
        %dma_wait3A_78 = arith.constant 0 : i32
        %dma_wait3A_79 = tpu.memref_slice %arg9[%add3A_57, %dma_wait3A_78] : memref<10112x128xf32, #tpu.memory_space<vmem_shared>> -> memref<128x128xf32, #tpu.memory_space<vmem_shared>>
        %dma_wait3A_80 = arith.constant 0 : i32
        %dma_wait3A_81 = tpu.memref_slice %arg9[%add3A_57, %dma_wait3A_80] : memref<10112x128xf32, #tpu.memory_space<vmem_shared>> -> memref<128x128xf32, #tpu.memory_space<vmem_shared>>
        %dma_wait3A_82 = arith.constant 0 : i32
        %dma_wait3A_83 = arith.constant 0 : i32
        %dma_wait3A_84 = tpu.memref_slice %arg6[%run_scoped3A_58, %dma_wait3A_82, %dma_wait3A_83] : memref<2x128x128xf32, #tpu.memory_space<vmem>> -> memref<1x128x128xf32, #tpu.memory_space<vmem>>
        %dma_wait3A_85 = tpu.memref_squeeze %dma_wait3A_84 : memref<1x128x128xf32, #tpu.memory_space<vmem>> -> memref<128x128xf32, #tpu.memory_space<vmem>>
        tpu.wait_dma2 semaphore(%run_scoped3A_62 : memref<!tpu.dma_semaphore, #tpu.memory_space<semaphore_mem>>) src(%dma_wait3A_85 : memref<128x128xf32, #tpu.memory_space<vmem>>) dst(%dma_wait3A_81 : memref<128x128xf32, #tpu.memory_space<vmem_shared>>)
        tpu.yield
      }) : () -> ()
      %add3A_59 = arith.constant 512 : i32
      %add3A_60 = arith.addi %mul3A_2, %add3A_59 : i32
      %run_scoped3A_61 = arith.constant 0 : i32
      "tpu.region"() ({
        %run_scoped3A_62 = tpu.sem_alloc : memref<!tpu.dma_semaphore, #tpu.memory_space<semaphore_mem>>
        %dma_start3A_63 = arith.constant 0 : i32
        %dma_start3A_64 = arith.constant 0 : i32
        %dma_start3A_65 = tpu.memref_slice %arg6[%run_scoped3A_61, %dma_start3A_63, %dma_start3A_64] : memref<2x128x128xf32, #tpu.memory_space<vmem>> -> memref<1x120x128xf32, #tpu.memory_space<vmem>>
        %dma_start3A_66 = tpu.memref_squeeze %dma_start3A_65 : memref<1x120x128xf32, #tpu.memory_space<vmem>> -> memref<120x128xf32, #tpu.memory_space<vmem>>
        %dma_start3A_67 = arith.constant 0 : i32
        %dma_start3A_68 = tpu.memref_slice %arg9[%add3A_60, %dma_start3A_67] : memref<10112x128xf32, #tpu.memory_space<vmem_shared>> -> memref<120x128xf32, #tpu.memory_space<vmem_shared>>
        %dma_start3A_69 = arith.constant 0 : i32
        %dma_start3A_70 = tpu.memref_slice %arg9[%add3A_60, %dma_start3A_69] : memref<10112x128xf32, #tpu.memory_space<vmem_shared>> -> memref<120x128xf32, #tpu.memory_space<vmem_shared>>
        %dma_start3A_71 = arith.constant 0 : i32
        %dma_start3A_72 = arith.constant 0 : i32
        %dma_start3A_73 = tpu.memref_slice %arg6[%run_scoped3A_61, %dma_start3A_71, %dma_start3A_72] : memref<2x128x128xf32, #tpu.memory_space<vmem>> -> memref<1x120x128xf32, #tpu.memory_space<vmem>>
        %dma_start3A_74 = tpu.memref_squeeze %dma_start3A_73 : memref<1x120x128xf32, #tpu.memory_space<vmem>> -> memref<120x128xf32, #tpu.memory_space<vmem>>
        tpu.enqueue_dma source(%dma_start3A_74 : memref<120x128xf32, #tpu.memory_space<vmem>>) target(%dma_start3A_70 : memref<120x128xf32, #tpu.memory_space<vmem_shared>>) target_semaphore(%run_scoped3A_62 : memref<!tpu.dma_semaphore, #tpu.memory_space<semaphore_mem>>)
        %dma_wait3A = arith.constant 0 : i32
        %dma_wait3A_75 = arith.constant 0 : i32
        %dma_wait3A_76 = tpu.memref_slice %arg6[%run_scoped3A_61, %dma_wait3A, %dma_wait3A_75] : memref<2x128x128xf32, #tpu.memory_space<vmem>> -> memref<1x120x128xf32, #tpu.memory_space<vmem>>
        %dma_wait3A_77 = tpu.memref_squeeze %dma_wait3A_76 : memref<1x120x128xf32, #tpu.memory_space<vmem>> -> memref<120x128xf32, #tpu.memory_space<vmem>>
        %dma_wait3A_78 = arith.constant 0 : i32
        %dma_wait3A_79 = tpu.memref_slice %arg9[%add3A_60, %dma_wait3A_78] : memref<10112x128xf32, #tpu.memory_space<vmem_shared>> -> memref<120x128xf32, #tpu.memory_space<vmem_shared>>
        %dma_wait3A_80 = arith.constant 0 : i32
        %dma_wait3A_81 = tpu.memref_slice %arg9[%add3A_60, %dma_wait3A_80] : memref<10112x128xf32, #tpu.memory_space<vmem_shared>> -> memref<120x128xf32, #tpu.memory_space<vmem_shared>>
        %dma_wait3A_82 = arith.constant 0 : i32
        %dma_wait3A_83 = arith.constant 0 : i32
        %dma_wait3A_84 = tpu.memref_slice %arg6[%run_scoped3A_61, %dma_wait3A_82, %dma_wait3A_83] : memref<2x128x128xf32, #tpu.memory_space<vmem>> -> memref<1x120x128xf32, #tpu.memory_space<vmem>>
        %dma_wait3A_85 = tpu.memref_squeeze %dma_wait3A_84 : memref<1x120x128xf32, #tpu.memory_space<vmem>> -> memref<120x128xf32, #tpu.memory_space<vmem>>
        tpu.wait_dma2 semaphore(%run_scoped3A_62 : memref<!tpu.dma_semaphore, #tpu.memory_space<semaphore_mem>>) src(%dma_wait3A_85 : memref<120x128xf32, #tpu.memory_space<vmem>>) dst(%dma_wait3A_81 : memref<120x128xf32, #tpu.memory_space<vmem_shared>>)
        tpu.yield
      }) : () -> ()
    } else {
    }
    %barrier3A = arith.constant 0 : index
    tpu.barrier barrier_id(%barrier3A)
    %scan3A = arith.constant 0 : i32
    %scan3A_31 = arith.constant 0 : i32
    %scan3A_32 = arith.constant 4 : i32
    %scan3A_33 = arith.addi %scan3A_31, %scan3A_32 : i32
    %scan3A_34 = arith.constant 1 : i32
    %scan3A_35 = scf.for %scan3A_40 = %scan3A_31 to %scan3A_33 step %scan3A_34 iter_args(%scan3A_41 = %scan3A) -> (i32)  : i32 {
      %rem3A = arith.constant 2 : i32
      %rem3A_42 = arith.remsi %scan3A_40, %rem3A : i32
      %dma_wait3A = arith.constant 0 : i32
      %dma_wait3A_43 = arith.constant 0 : i32
      %dma_wait3A_44 = arith.constant 0 : i32
      %dma_wait3A_45 = tpu.memref_slice %arg5[%rem3A_42, %dma_wait3A, %dma_wait3A_43, %dma_wait3A_44] : memref<2x2x20x128xi32, #tpu.memory_space<vmem>> -> memref<1x2x20x128xi32, #tpu.memory_space<vmem>>
      %dma_wait3A_46 = tpu.memref_squeeze %dma_wait3A_45 : memref<1x2x20x128xi32, #tpu.memory_space<vmem>> -> memref<2x20x128xi32, #tpu.memory_space<vmem>>
      %dma_wait3A_47 = arith.constant 0 : i32
      %dma_wait3A_48 = arith.constant 0 : i32
      %dma_wait3A_49 = arith.constant 0 : i32
      %dma_wait3A_50 = tpu.memref_slice %arg3[%add3A, %scan3A_40, %dma_wait3A_47, %dma_wait3A_48, %dma_wait3A_49] : memref<32x4x2x20x128xi32, #tpu.memory_space<hbm>> -> memref<1x1x2x20x128xi32, #tpu.memory_space<hbm>>
      %dma_wait3A_51 = tpu.memref_squeeze %dma_wait3A_50 : memref<1x1x2x20x128xi32, #tpu.memory_space<hbm>> -> memref<2x20x128xi32, #tpu.memory_space<hbm>>
      %dma_wait3A_52 = arith.constant 0 : i32
      %dma_wait3A_53 = arith.constant 0 : i32
      %dma_wait3A_54 = arith.constant 0 : i32
      %dma_wait3A_55 = tpu.memref_slice %arg5[%rem3A_42, %dma_wait3A_52, %dma_wait3A_53, %dma_wait3A_54] : memref<2x2x20x128xi32, #tpu.memory_space<vmem>> -> memref<1x2x20x128xi32, #tpu.memory_space<vmem>>
      %dma_wait3A_56 = tpu.memref_squeeze %dma_wait3A_55 : memref<1x2x20x128xi32, #tpu.memory_space<vmem>> -> memref<2x20x128xi32, #tpu.memory_space<vmem>>
      %dma_wait3A_57 = arith.constant 0 : i32
      %dma_wait3A_58 = arith.constant 0 : i32
      %dma_wait3A_59 = arith.constant 0 : i32
      %dma_wait3A_60 = tpu.memref_slice %arg3[%add3A, %scan3A_40, %dma_wait3A_57, %dma_wait3A_58, %dma_wait3A_59] : memref<32x4x2x20x128xi32, #tpu.memory_space<hbm>> -> memref<1x1x2x20x128xi32, #tpu.memory_space<hbm>>
      %dma_wait3A_61 = tpu.memref_squeeze %dma_wait3A_60 : memref<1x1x2x20x128xi32, #tpu.memory_space<hbm>> -> memref<2x20x128xi32, #tpu.memory_space<hbm>>
      tpu.wait_dma2 semaphore(%arg7 : memref<!tpu.dma_semaphore, #tpu.memory_space<semaphore_mem>>) src(%dma_wait3A_61 : memref<2x20x128xi32, #tpu.memory_space<hbm>>) dst(%dma_wait3A_56 : memref<2x20x128xi32, #tpu.memory_space<vmem>>)
      %lt3A = arith.constant 3 : i32
      %lt3A_62 = arith.cmpi slt, %scan3A_40, %lt3A : i32
      %convert_element_type3A_63 = arith.extui %lt3A_62 : i1 to i32
      %cond3A_64 = arith.constant 0 : i32
      %cond3A_65 = arith.cmpi ne, %convert_element_type3A_63, %cond3A_64 : i32
      scf.if %cond3A_65 {
        %add3A_74 = arith.constant 1 : i32
        %add3A_75 = arith.addi %scan3A_40, %add3A_74 : i32
        %sub3A = arith.constant 1 : i32
        %sub3A_76 = arith.subi %sub3A, %rem3A_42 : i32
        %dma_start3A_77 = arith.constant 0 : i32
        %dma_start3A_78 = arith.constant 0 : i32
        %dma_start3A_79 = arith.constant 0 : i32
        %dma_start3A_80 = tpu.memref_slice %arg5[%sub3A_76, %dma_start3A_77, %dma_start3A_78, %dma_start3A_79] : memref<2x2x20x128xi32, #tpu.memory_space<vmem>> -> memref<1x2x20x128xi32, #tpu.memory_space<vmem>>
        %dma_start3A_81 = tpu.memref_squeeze %dma_start3A_80 : memref<1x2x20x128xi32, #tpu.memory_space<vmem>> -> memref<2x20x128xi32, #tpu.memory_space<vmem>>
        %dma_start3A_82 = arith.constant 0 : i32
        %dma_start3A_83 = arith.constant 0 : i32
        %dma_start3A_84 = arith.constant 0 : i32
        %dma_start3A_85 = tpu.memref_slice %arg3[%add3A, %add3A_75, %dma_start3A_82, %dma_start3A_83, %dma_start3A_84] : memref<32x4x2x20x128xi32, #tpu.memory_space<hbm>> -> memref<1x1x2x20x128xi32, #tpu.memory_space<hbm>>
        %dma_start3A_86 = tpu.memref_squeeze %dma_start3A_85 : memref<1x1x2x20x128xi32, #tpu.memory_space<hbm>> -> memref<2x20x128xi32, #tpu.memory_space<hbm>>
        %dma_start3A_87 = arith.constant 0 : i32
        %dma_start3A_88 = arith.constant 0 : i32
        %dma_start3A_89 = arith.constant 0 : i32
        %dma_start3A_90 = tpu.memref_slice %arg5[%sub3A_76, %dma_start3A_87, %dma_start3A_88, %dma_start3A_89] : memref<2x2x20x128xi32, #tpu.memory_space<vmem>> -> memref<1x2x20x128xi32, #tpu.memory_space<vmem>>
        %dma_start3A_91 = tpu.memref_squeeze %dma_start3A_90 : memref<1x2x20x128xi32, #tpu.memory_space<vmem>> -> memref<2x20x128xi32, #tpu.memory_space<vmem>>
        %dma_start3A_92 = arith.constant 0 : i32
        %dma_start3A_93 = arith.constant 0 : i32
        %dma_start3A_94 = arith.constant 0 : i32
        %dma_start3A_95 = tpu.memref_slice %arg3[%add3A, %add3A_75, %dma_start3A_92, %dma_start3A_93, %dma_start3A_94] : memref<32x4x2x20x128xi32, #tpu.memory_space<hbm>> -> memref<1x1x2x20x128xi32, #tpu.memory_space<hbm>>
        %dma_start3A_96 = tpu.memref_squeeze %dma_start3A_95 : memref<1x1x2x20x128xi32, #tpu.memory_space<hbm>> -> memref<2x20x128xi32, #tpu.memory_space<hbm>>
        tpu.enqueue_dma source(%dma_start3A_96 : memref<2x20x128xi32, #tpu.memory_space<hbm>>) target(%dma_start3A_91 : memref<2x20x128xi32, #tpu.memory_space<vmem>>) target_semaphore(%arg7 : memref<!tpu.dma_semaphore, #tpu.memory_space<semaphore_mem>>)
      } else {
      }
      %scan3A_66 = arith.constant 0 : i32
      %scan3A_67 = arith.constant 0 : i32
      %scan3A_68 = arith.constant 21 : i32
      %scan3A_69 = arith.addi %scan3A_67, %scan3A_68 : i32
      %scan3A_70 = arith.constant 1 : i32
      %scan3A_71 = scf.for %scan3A_74 = %scan3A_67 to %scan3A_69 step %scan3A_70 iter_args(%scan3A_75 = %scan3A_66) -> (i32)  : i32 {
        %rem3A_76 = arith.constant 2 : i32
        %rem3A_77 = arith.remsi %scan3A_74, %rem3A_76 : i32
        %lt3A_78 = arith.constant 20 : i32
        %lt3A_79 = arith.cmpi slt, %scan3A_74, %lt3A_78 : i32
        %convert_element_type3A_80 = arith.extui %lt3A_79 : i1 to i32
        %cond3A_81 = arith.constant 0 : i32
        %cond3A_82 = arith.cmpi ne, %convert_element_type3A_80, %cond3A_81 : i32
        scf.if %cond3A_82 {
          %dma_start3A_88 = arith.constant 0 : i32
          %dma_start3A_89 = arith.constant 0 : i32
          %dma_start3A_90 = arith.constant 0 : i32
          %dma_start3A_91 = tpu.memref_slice %arg6[%rem3A_77, %dma_start3A_89, %dma_start3A_90] : memref<2x128x128xf32, #tpu.memory_space<vmem>> -> memref<1x128x128xf32, #tpu.memory_space<vmem>>
          %dma_start3A_92 = tpu.memref_squeeze %dma_start3A_91 : memref<1x128x128xf32, #tpu.memory_space<vmem>> -> memref<128x128xf32, #tpu.memory_space<vmem>>
          %dma_start3A_93 = arith.constant 0 : i32
          %dma_start3A_94 = tpu.memref_slice %arg5[%rem3A_42, %dma_start3A_88, %scan3A_74, %dma_start3A_93] : memref<2x2x20x128xi32, #tpu.memory_space<vmem>> -> memref<1x1x1x128xi32, #tpu.memory_space<vmem>>
          %dma_start3A_95 = tpu.memref_squeeze %dma_start3A_94 : memref<1x1x1x128xi32, #tpu.memory_space<vmem>> -> memref<128xi32, #tpu.memory_space<vmem>>
          %dma_start3A_96 = arith.constant 0 : i32
          %dma_start3A_97 = arith.constant 0 : i32
          %dma_start3A_98 = tpu.memref_slice %arg2[%dma_start3A_96, %dma_start3A_97] : memref<10112x128xf32, #tpu.memory_space<hbm>> -> memref<10112x128xf32, #tpu.memory_space<hbm>>
          tpu.enqueue_indirect_dma source(%dma_start3A_98 : memref<10112x128xf32, #tpu.memory_space<hbm>>) target(%dma_start3A_92 : memref<128x128xf32, #tpu.memory_space<vmem>>) offsets(%dma_start3A_95 : memref<128xi32, #tpu.memory_space<vmem>>) semaphore(%arg8 : memref<!tpu.dma_semaphore, #tpu.memory_space<semaphore_mem>>)
        } else {
        }
        %gt3A = arith.constant 0 : i32
        %gt3A_83 = arith.cmpi sgt, %scan3A_74, %gt3A : i32
        %convert_element_type3A_84 = arith.extui %gt3A_83 : i1 to i32
        %cond3A_85 = arith.constant 0 : i32
        %cond3A_86 = arith.cmpi ne, %convert_element_type3A_84, %cond3A_85 : i32
        scf.if %cond3A_86 {
          %sub3A = arith.constant 1 : i32
          %sub3A_88 = arith.subi %scan3A_74, %sub3A : i32
          %sub3A_89 = arith.constant 1 : i32
          %sub3A_90 = arith.subi %sub3A_89, %rem3A_77 : i32
          %dma_wait3A_91 = arith.constant 0 : i32
          %dma_wait3A_92 = arith.constant 0 : i32
          %dma_wait3A_93 = arith.constant 0 : i32
          %dma_wait3A_94 = tpu.memref_slice %arg6[%sub3A_90, %dma_wait3A_92, %dma_wait3A_93] : memref<2x128x128xf32, #tpu.memory_space<vmem>> -> memref<1x128x128xf32, #tpu.memory_space<vmem>>
          %dma_wait3A_95 = tpu.memref_squeeze %dma_wait3A_94 : memref<1x128x128xf32, #tpu.memory_space<vmem>> -> memref<128x128xf32, #tpu.memory_space<vmem>>
          %dma_wait3A_96 = arith.constant 0 : i32
          %dma_wait3A_97 = tpu.memref_slice %arg5[%rem3A_42, %dma_wait3A_91, %sub3A_88, %dma_wait3A_96] : memref<2x2x20x128xi32, #tpu.memory_space<vmem>> -> memref<1x1x1x128xi32, #tpu.memory_space<vmem>>
          %dma_wait3A_98 = tpu.memref_squeeze %dma_wait3A_97 : memref<1x1x1x128xi32, #tpu.memory_space<vmem>> -> memref<128xi32, #tpu.memory_space<vmem>>
          %dma_wait3A_99 = arith.constant 0 : i32
          %dma_wait3A_100 = arith.constant 0 : i32
          %dma_wait3A_101 = tpu.memref_slice %arg2[%dma_wait3A_99, %dma_wait3A_100] : memref<10112x128xf32, #tpu.memory_space<hbm>> -> memref<10112x128xf32, #tpu.memory_space<hbm>>
          tpu.wait_indirect_dma semaphore(%arg8 : memref<!tpu.dma_semaphore, #tpu.memory_space<semaphore_mem>>) src(%dma_wait3A_101 : memref<10112x128xf32, #tpu.memory_space<hbm>>) dst(%dma_wait3A_95 : memref<128x128xf32, #tpu.memory_space<vmem>>)
          %sub3A_102 = arith.constant 1 : i32
          %sub3A_103 = arith.subi %sub3A_102, %rem3A_77 : i32
          %run_scoped3A = arith.constant 1 : i32
          "tpu.region"() ({
            %run_scoped3A_104 = tpu.sem_alloc : memref<!tpu.dma_semaphore, #tpu.memory_space<semaphore_mem>>
            %dma_start3A_105 = arith.constant 0 : i32
            %dma_start3A_106 = arith.constant 0 : i32
            %dma_start3A_107 = tpu.memref_slice %arg6[%sub3A_103, %dma_start3A_105, %dma_start3A_106] : memref<2x128x128xf32, #tpu.memory_space<vmem>> -> memref<1x128x128xf32, #tpu.memory_space<vmem>>
            %dma_start3A_108 = tpu.memref_squeeze %dma_start3A_107 : memref<1x128x128xf32, #tpu.memory_space<vmem>> -> memref<128x128xf32, #tpu.memory_space<vmem>>
            %dma_start3A_109 = arith.constant 0 : i32
            %dma_start3A_110 = tpu.memref_slice %arg5[%rem3A_42, %run_scoped3A, %sub3A_88, %dma_start3A_109] : memref<2x2x20x128xi32, #tpu.memory_space<vmem>> -> memref<1x1x1x128xi32, #tpu.memory_space<vmem>>
            %dma_start3A_111 = tpu.memref_squeeze %dma_start3A_110 : memref<1x1x1x128xi32, #tpu.memory_space<vmem>> -> memref<128xi32, #tpu.memory_space<vmem>>
            %dma_start3A_112 = arith.constant 0 : i32
            %dma_start3A_113 = arith.constant 0 : i32
            %dma_start3A_114 = tpu.memref_slice %arg9[%dma_start3A_112, %dma_start3A_113] : memref<10112x128xf32, #tpu.memory_space<vmem_shared>> -> memref<10112x128xf32, #tpu.memory_space<vmem_shared>>
            tpu.enqueue_indirect_dma source(%dma_start3A_108 : memref<128x128xf32, #tpu.memory_space<vmem>>) target(%dma_start3A_114 : memref<10112x128xf32, #tpu.memory_space<vmem_shared>>) offsets(%dma_start3A_111 : memref<128xi32, #tpu.memory_space<vmem>>) semaphore(%run_scoped3A_104 : memref<!tpu.dma_semaphore, #tpu.memory_space<semaphore_mem>>) {add = true}
            %dma_wait3A_115 = arith.constant 0 : i32
            %dma_wait3A_116 = arith.constant 0 : i32
            %dma_wait3A_117 = tpu.memref_slice %arg6[%sub3A_103, %dma_wait3A_115, %dma_wait3A_116] : memref<2x128x128xf32, #tpu.memory_space<vmem>> -> memref<1x128x128xf32, #tpu.memory_space<vmem>>
            %dma_wait3A_118 = tpu.memref_squeeze %dma_wait3A_117 : memref<1x128x128xf32, #tpu.memory_space<vmem>> -> memref<128x128xf32, #tpu.memory_space<vmem>>
            %dma_wait3A_119 = arith.constant 0 : i32
            %dma_wait3A_120 = tpu.memref_slice %arg5[%rem3A_42, %run_scoped3A, %sub3A_88, %dma_wait3A_119] : memref<2x2x20x128xi32, #tpu.memory_space<vmem>> -> memref<1x1x1x128xi32, #tpu.memory_space<vmem>>
            %dma_wait3A_121 = tpu.memref_squeeze %dma_wait3A_120 : memref<1x1x1x128xi32, #tpu.memory_space<vmem>> -> memref<128xi32, #tpu.memory_space<vmem>>
            %dma_wait3A_122 = arith.constant 0 : i32
            %dma_wait3A_123 = arith.constant 0 : i32
            %dma_wait3A_124 = tpu.memref_slice %arg9[%dma_wait3A_122, %dma_wait3A_123] : memref<10112x128xf32, #tpu.memory_space<vmem_shared>> -> memref<10112x128xf32, #tpu.memory_space<vmem_shared>>
            tpu.wait_indirect_dma semaphore(%run_scoped3A_104 : memref<!tpu.dma_semaphore, #tpu.memory_space<semaphore_mem>>) src(%dma_wait3A_118 : memref<128x128xf32, #tpu.memory_space<vmem>>) dst(%dma_wait3A_124 : memref<10112x128xf32, #tpu.memory_space<vmem_shared>>)
            tpu.yield
          }) : () -> ()
        } else {
        }
        %scan3A_87 = arith.constant 0 : i32
        scf.yield %scan3A_87 : i32
      }
      %scan3A_72 = arith.constant 21 : i32
      %scan3A_73 = arith.constant 0 : i32
      scf.yield %scan3A_73 : i32
    }
    %scan3A_36 = arith.constant 4 : i32
    %barrier3A_37 = arith.constant 0 : index
    tpu.barrier barrier_id(%barrier3A_37)
    %mul3A_38 = arith.constant 632 : i32
    %mul3A_39 = arith.muli %arg1, %mul3A_38 : i32
    "tpu.region"() ({
      %run_scoped3A = tpu.sem_alloc : memref<!tpu.dma_semaphore, #tpu.memory_space<semaphore_mem>>
      %dma_start3A_40 = arith.constant 0 : i32
      %dma_start3A_41 = tpu.memref_slice %arg4[%arg0, %mul3A_39, %dma_start3A_40] : memref<2x10112x128xf32, #tpu.memory_space<hbm>> -> memref<1x632x128xf32, #tpu.memory_space<hbm>>
      %dma_start3A_42 = tpu.memref_squeeze %dma_start3A_41 : memref<1x632x128xf32, #tpu.memory_space<hbm>> -> memref<632x128xf32, #tpu.memory_space<hbm>>
      %dma_start3A_43 = arith.constant 0 : i32
      %dma_start3A_44 = tpu.memref_slice %arg9[%mul3A_39, %dma_start3A_43] : memref<10112x128xf32, #tpu.memory_space<vmem_shared>> -> memref<632x128xf32, #tpu.memory_space<vmem_shared>>
      tpu.enqueue_dma source(%dma_start3A_44 : memref<632x128xf32, #tpu.memory_space<vmem_shared>>) target(%dma_start3A_42 : memref<632x128xf32, #tpu.memory_space<hbm>>) target_semaphore(%run_scoped3A : memref<!tpu.dma_semaphore, #tpu.memory_space<semaphore_mem>>)
      %dma_wait3A = arith.constant 0 : i32
      %dma_wait3A_45 = tpu.memref_slice %arg4[%arg0, %mul3A_39, %dma_wait3A] : memref<2x10112x128xf32, #tpu.memory_space<hbm>> -> memref<1x632x128xf32, #tpu.memory_space<hbm>>
      %dma_wait3A_46 = tpu.memref_squeeze %dma_wait3A_45 : memref<1x632x128xf32, #tpu.memory_space<hbm>> -> memref<632x128xf32, #tpu.memory_space<hbm>>
      %dma_wait3A_47 = arith.constant 0 : i32
      %dma_wait3A_48 = tpu.memref_slice %arg9[%mul3A_39, %dma_wait3A_47] : memref<10112x128xf32, #tpu.memory_space<vmem_shared>> -> memref<632x128xf32, #tpu.memory_space<vmem_shared>>
      tpu.wait_dma2 semaphore(%run_scoped3A : memref<!tpu.dma_semaphore, #tpu.memory_space<semaphore_mem>>) src(%dma_wait3A_48 : memref<632x128xf32, #tpu.memory_space<vmem_shared>>) dst(%dma_wait3A_46 : memref<632x128xf32, #tpu.memory_space<hbm>>)
      tpu.yield
    }) : () -> ()
    return
  }
}

module attributes {stable_mosaic.version = 14 : i64} {
  func.func @_tc1_body(%arg0: i32, %arg1: memref<1000x128xf32, #tpu.memory_space<vmem>>, %arg2: memref<128x128xf32, #tpu.memory_space<vmem>>, %arg3: memref<2x1000x128xf32, #tpu.memory_space<vmem>>, %arg4: memref<1000x128xf32, #tpu.memory_space<vmem>>, %arg5: memref<1000x8xf32, #tpu.memory_space<vmem>>) attributes {dimension_semantics = [#tpu.dimension_semantics<arbitrary>], iteration_bounds = array<i64: 10>, scalar_prefetch = 0 : i64, scratch_operands = 0 : i64, tpu.core_type = #tpu.core_type<tc>, window_params = [{transform_indices = @transform_0, window_bounds = array<i64: 1000, 128>}, {pipeline_mode = #tpu.pipeline_mode<synchronous>, transform_indices = @transform_1, window_bounds = array<i64: 128, 128>}, {transform_indices = @transform_2, window_bounds = array<i64: 2, 1000, 128>}, {transform_indices = @transform_3, window_bounds = array<i64: 1000, 128>}, {transform_indices = @transform_4, window_bounds = array<i64: 1000, 8>}]} {
    %get3A = arith.constant 0 : index
    %get3A_0 = arith.constant 0 : index
    %get3A_1 = arith.constant 0 : index
    %get3A_2 = vector.load %arg3[%get3A, %get3A_0, %get3A_1] : memref<2x1000x128xf32, #tpu.memory_space<vmem>>, vector<1x1000x1xf32>
    %get3A_3 = vector.shape_cast %get3A_2 : vector<1x1000x1xf32> to vector<1000x1xf32>
    %get3A_4 = arith.constant 1 : index
    %get3A_5 = arith.constant 0 : index
    %get3A_6 = arith.constant 0 : index
    %get3A_7 = vector.load %arg3[%get3A_4, %get3A_5, %get3A_6] : memref<2x1000x128xf32, #tpu.memory_space<vmem>>, vector<1x1000x1xf32>
    %get3A_8 = vector.shape_cast %get3A_7 : vector<1x1000x1xf32> to vector<1000x1xf32>
    %add3A = arith.addf %get3A_3, %get3A_8 : vector<1000x1xf32>
    %add3A_9 = arith.constant 1.000000e+00 : f32
    %add3A_10 = vector.broadcast %add3A_9 : f32 to vector<1000x1xf32>
    %add3A_11 = arith.addf %add3A, %add3A_10 : vector<1000x1xf32>
    %rsqrt3A = math.rsqrt %add3A_11 : vector<1000x1xf32>
    %get3A_12 = arith.constant 0 : index
    %get3A_13 = arith.constant 0 : index
    %get3A_14 = vector.load %arg1[%get3A_12, %get3A_13] : memref<1000x128xf32, #tpu.memory_space<vmem>>, vector<1000x128xf32>
    %get3A_15 = arith.constant 0 : index
    %get3A_16 = arith.constant 0 : index
    %get3A_17 = vector.load %arg2[%get3A_15, %get3A_16] : memref<128x128xf32, #tpu.memory_space<vmem>>, vector<128x128xf32>
    %dot_general3A = arith.constant dense<0.000000e+00> : vector<1000x128xf32>
    %dot_general3A_18 = tpu.matmul %get3A_14, %get3A_17, %dot_general3A {dimension_numbers = #tpu.dot_dimension_numbers<[1], [0], [0], [1], [0, 0, 1, 1], [], []>, transpose_lhs_hint = false} : vector<1000x128xf32>, vector<128x128xf32>, vector<1000x128xf32> -> vector<1000x128xf32>
    %mul3A = vector.broadcast %rsqrt3A : vector<1000x1xf32> to vector<1000x128xf32>
    %mul3A_19 = arith.mulf %dot_general3A_18, %mul3A : vector<1000x128xf32>
    %swap3A = arith.constant 0 : index
    %swap3A_20 = arith.constant 0 : index
    %swap3A_21 = vector.load %arg4[%swap3A, %swap3A_20] : memref<1000x128xf32, #tpu.memory_space<vmem>>, vector<1000x128xf32>
    tpu.vector_store %arg4[%swap3A, %swap3A_20], %mul3A_19 {strides = array<i32>} : memref<1000x128xf32, #tpu.memory_space<vmem>>, vector<1000x128xf32>,
    %broadcast_in_dim3A = vector.shape_cast %rsqrt3A : vector<1000x1xf32> to vector<1000x1xf32>
    %broadcast_in_dim3A_22 = vector.broadcast %broadcast_in_dim3A : vector<1000x1xf32> to vector<1000x8xf32>
    %swap3A_23 = arith.constant 0 : index
    %swap3A_24 = arith.constant 0 : index
    %swap3A_25 = vector.load %arg5[%swap3A_23, %swap3A_24] : memref<1000x8xf32, #tpu.memory_space<vmem>>, vector<1000x8xf32>
    tpu.vector_store %arg5[%swap3A_23, %swap3A_24], %broadcast_in_dim3A_22 {strides = array<i32>} : memref<1000x8xf32, #tpu.memory_space<vmem>>, vector<1000x8xf32>,
    return
  }
  func.func @transform_0(%arg0: i32) -> (i32, i32) {
    %c0_i32 = arith.constant 0 : i32
    %c0_i32_0 = arith.constant 0 : i32
    return %arg0, %c0_i32 : i32, i32
  }
  func.func @transform_1(%arg0: i32) -> (i32, i32) {
    %c0_i32 = arith.constant 0 : i32
    %c0_i32_0 = arith.constant 0 : i32
    %c0_i32_1 = arith.constant 0 : i32
    return %c0_i32, %c0_i32_0 : i32, i32
  }
  func.func @transform_2(%arg0: i32) -> (i32, i32, i32) {
    %c0_i32 = arith.constant 0 : i32
    %c0_i32_0 = arith.constant 0 : i32
    %c0_i32_1 = arith.constant 0 : i32
    return %c0_i32, %arg0, %c0_i32_0 : i32, i32, i32
  }
  func.func @transform_3(%arg0: i32) -> (i32, i32) {
    %c0_i32 = arith.constant 0 : i32
    %c0_i32_0 = arith.constant 0 : i32
    return %arg0, %c0_i32 : i32, i32
  }
  func.func @transform_4(%arg0: i32) -> (i32, i32) {
    %c0_i32 = arith.constant 0 : i32
    %c0_i32_0 = arith.constant 0 : i32
    return %arg0, %c0_i32 : i32, i32
  }
}

module attributes {stable_mosaic.version = 14 : i64} {
  func.func @_tc2_body(%arg0: i32, %arg1: memref<2x1000x128xf32, #tpu.memory_space<vmem>>, %arg2: memref<1000x8xf32, #tpu.memory_space<vmem>>, %arg3: memref<1x128xf32, #tpu.memory_space<vmem>>, %arg4: memref<128x64xf32, #tpu.memory_space<vmem>>, %arg5: memref<1000x128xf32, #tpu.memory_space<vmem>>) attributes {dimension_semantics = [#tpu.dimension_semantics<arbitrary>], iteration_bounds = array<i64: 10>, scalar_prefetch = 0 : i64, scratch_operands = 0 : i64, tpu.core_type = #tpu.core_type<tc>, window_params = [{transform_indices = @transform_0, window_bounds = array<i64: 2, 1000, 128>}, {transform_indices = @transform_1, window_bounds = array<i64: 1000, 8>}, {pipeline_mode = #tpu.pipeline_mode<synchronous>, transform_indices = @transform_2, window_bounds = array<i64: 1, 128>}, {pipeline_mode = #tpu.pipeline_mode<synchronous>, transform_indices = @transform_3, window_bounds = array<i64: 128, 64>}, {transform_indices = @transform_4, window_bounds = array<i64: 1000, 128>}]} {
    %get3A = arith.constant 0 : index
    %get3A_0 = arith.constant 0 : index
    %get3A_1 = vector.load %arg2[%get3A, %get3A_0] : memref<1000x8xf32, #tpu.memory_space<vmem>>, vector<1000x1xf32>
    %get3A_2 = arith.constant 0 : index
    %get3A_3 = arith.constant 0 : index
    %get3A_4 = arith.constant 0 : index
    %get3A_5 = vector.load %arg1[%get3A_2, %get3A_3, %get3A_4] : memref<2x1000x128xf32, #tpu.memory_space<vmem>>, vector<1x1000x128xf32>
    %get3A_6 = vector.shape_cast %get3A_5 : vector<1x1000x128xf32> to vector<1000x128xf32>
    %get3A_7 = arith.constant 1 : index
    %get3A_8 = arith.constant 0 : index
    %get3A_9 = arith.constant 0 : index
    %get3A_10 = vector.load %arg1[%get3A_7, %get3A_8, %get3A_9] : memref<2x1000x128xf32, #tpu.memory_space<vmem>>, vector<1x1000x128xf32>
    %get3A_11 = vector.shape_cast %get3A_10 : vector<1x1000x128xf32> to vector<1000x128xf32>
    %add3A = arith.addf %get3A_6, %get3A_11 : vector<1000x128xf32>
    %mul3A = vector.broadcast %get3A_1 : vector<1000x1xf32> to vector<1000x128xf32>
    %mul3A_12 = arith.mulf %add3A, %mul3A : vector<1000x128xf32>
    %get3A_13 = arith.constant 0 : index
    %get3A_14 = arith.constant 0 : index
    %get3A_15 = vector.load %arg3[%get3A_13, %get3A_14] : memref<1x128xf32, #tpu.memory_space<vmem>>, vector<1x128xf32>
    %add3A_16 = vector.broadcast %get3A_15 : vector<1x128xf32> to vector<1000x128xf32>
    %add3A_17 = arith.addf %mul3A_12, %add3A_16 : vector<1000x128xf32>
    %max3A = arith.constant 0.000000e+00 : f32
    %max3A_18 = vector.broadcast %max3A : f32 to vector<1000x128xf32>
    %max3A_19 = arith.maximumf %add3A_17, %max3A_18 : vector<1000x128xf32>
    %get3A_20 = arith.constant 0 : index
    %get3A_21 = arith.constant 0 : index
    %get3A_22 = vector.load %arg4[%get3A_20, %get3A_21] : memref<128x64xf32, #tpu.memory_space<vmem>>, vector<128x64xf32>
    %dot_general3A = arith.constant dense<0.000000e+00> : vector<1000x64xf32>
    %dot_general3A_23 = tpu.matmul %max3A_19, %get3A_22, %dot_general3A {dimension_numbers = #tpu.dot_dimension_numbers<[1], [0], [0], [1], [0, 0, 1, 1], [], []>, transpose_lhs_hint = false} : vector<1000x128xf32>, vector<128x64xf32>, vector<1000x64xf32> -> vector<1000x64xf32>
    %mul3A_24 = vector.broadcast %get3A_1 : vector<1000x1xf32> to vector<1000x64xf32>
    %mul3A_25 = arith.mulf %dot_general3A_23, %mul3A_24 : vector<1000x64xf32>
    %broadcast_in_dim3A = arith.constant 0.000000e+00 : f32
    %broadcast_in_dim3A_26 = vector.broadcast %broadcast_in_dim3A : f32 to vector<1000x64xf32>
    %concatenate3A = tpu.concatenate %mul3A_25, %broadcast_in_dim3A_26 in 1 : vector<1000x64xf32>, vector<1000x64xf32> -> vector<1000x128xf32>
    %swap3A = arith.constant 0 : index
    %swap3A_27 = arith.constant 0 : index
    %swap3A_28 = vector.load %arg5[%swap3A, %swap3A_27] : memref<1000x128xf32, #tpu.memory_space<vmem>>, vector<1000x128xf32>
    tpu.vector_store %arg5[%swap3A, %swap3A_27], %concatenate3A {strides = array<i32>} : memref<1000x128xf32, #tpu.memory_space<vmem>>, vector<1000x128xf32>,
    return
  }
  func.func @transform_0(%arg0: i32) -> (i32, i32, i32) {
    %c0_i32 = arith.constant 0 : i32
    %c0_i32_0 = arith.constant 0 : i32
    %c0_i32_1 = arith.constant 0 : i32
    return %c0_i32, %arg0, %c0_i32_0 : i32, i32, i32
  }
  func.func @transform_1(%arg0: i32) -> (i32, i32) {
    %c0_i32 = arith.constant 0 : i32
    %c0_i32_0 = arith.constant 0 : i32
    return %arg0, %c0_i32 : i32, i32
  }
  func.func @transform_2(%arg0: i32) -> (i32, i32) {
    %c0_i32 = arith.constant 0 : i32
    %c0_i32_0 = arith.constant 0 : i32
    %c0_i32_1 = arith.constant 0 : i32
    return %c0_i32, %c0_i32_0 : i32, i32
  }
  func.func @transform_3(%arg0: i32) -> (i32, i32) {
    %c0_i32 = arith.constant 0 : i32
    %c0_i32_0 = arith.constant 0 : i32
    %c0_i32_1 = arith.constant 0 : i32
    return %c0_i32, %c0_i32_0 : i32, i32
  }
  func.func @transform_4(%arg0: i32) -> (i32, i32) {
    %c0_i32 = arith.constant 0 : i32
    %c0_i32_0 = arith.constant 0 : i32
    return %arg0, %c0_i32 : i32, i32
  }
}

module attributes {stable_mosaic.version = 14 : i64} {
  func.func @_tc3_body(%arg0: i32, %arg1: memref<2x1000x128xf32, #tpu.memory_space<vmem>>, %arg2: memref<1000x8xf32, #tpu.memory_space<vmem>>, %arg3: memref<1x64xf32, #tpu.memory_space<vmem>>, %arg4: memref<64x2xf32, #tpu.memory_space<vmem>>, %arg5: memref<1x2xf32, #tpu.memory_space<vmem>>, %arg6: memref<1000x2xf32, #tpu.memory_space<vmem>>) attributes {dimension_semantics = [#tpu.dimension_semantics<arbitrary>], iteration_bounds = array<i64: 10>, scalar_prefetch = 0 : i64, scratch_operands = 0 : i64, tpu.core_type = #tpu.core_type<tc>, window_params = [{transform_indices = @transform_0, window_bounds = array<i64: 2, 1000, 128>}, {transform_indices = @transform_1, window_bounds = array<i64: 1000, 8>}, {pipeline_mode = #tpu.pipeline_mode<synchronous>, transform_indices = @transform_2, window_bounds = array<i64: 1, 64>}, {pipeline_mode = #tpu.pipeline_mode<synchronous>, transform_indices = @transform_3, window_bounds = array<i64: 64, 2>}, {pipeline_mode = #tpu.pipeline_mode<synchronous>, transform_indices = @transform_4, window_bounds = array<i64: 1, 2>}, {transform_indices = @transform_5, window_bounds = array<i64: 1000, 2>}]} {
    %get3A = arith.constant 0 : index
    %get3A_0 = arith.constant 0 : index
    %get3A_1 = vector.load %arg2[%get3A, %get3A_0] : memref<1000x8xf32, #tpu.memory_space<vmem>>, vector<1000x1xf32>
    %get3A_2 = arith.constant 0 : index
    %get3A_3 = arith.constant 0 : index
    %get3A_4 = arith.constant 0 : index
    %get3A_5 = vector.load %arg1[%get3A_2, %get3A_3, %get3A_4] : memref<2x1000x128xf32, #tpu.memory_space<vmem>>, vector<1x1000x128xf32>
    %get3A_6 = vector.shape_cast %get3A_5 : vector<1x1000x128xf32> to vector<1000x128xf32>
    %get3A_7 = arith.constant 1 : index
    %get3A_8 = arith.constant 0 : index
    %get3A_9 = arith.constant 0 : index
    %get3A_10 = vector.load %arg1[%get3A_7, %get3A_8, %get3A_9] : memref<2x1000x128xf32, #tpu.memory_space<vmem>>, vector<1x1000x128xf32>
    %get3A_11 = vector.shape_cast %get3A_10 : vector<1x1000x128xf32> to vector<1000x128xf32>
    %add3A = arith.addf %get3A_6, %get3A_11 : vector<1000x128xf32>
    %slice3A = vector.extract_strided_slice %add3A {offsets = [0, 0], sizes = [1000, 64], strides = [1, 1]} : vector<1000x128xf32> to vector<1000x64xf32>
    %mul3A = vector.broadcast %get3A_1 : vector<1000x1xf32> to vector<1000x64xf32>
    %mul3A_12 = arith.mulf %slice3A, %mul3A : vector<1000x64xf32>
    %get3A_13 = arith.constant 0 : index
    %get3A_14 = arith.constant 0 : index
    %get3A_15 = vector.load %arg3[%get3A_13, %get3A_14] : memref<1x64xf32, #tpu.memory_space<vmem>>, vector<1x64xf32>
    %add3A_16 = vector.broadcast %get3A_15 : vector<1x64xf32> to vector<1000x64xf32>
    %add3A_17 = arith.addf %mul3A_12, %add3A_16 : vector<1000x64xf32>
    %max3A = arith.constant 0.000000e+00 : f32
    %max3A_18 = vector.broadcast %max3A : f32 to vector<1000x64xf32>
    %max3A_19 = arith.maximumf %add3A_17, %max3A_18 : vector<1000x64xf32>
    %get3A_20 = arith.constant 0 : index
    %get3A_21 = arith.constant 0 : index
    %get3A_22 = vector.load %arg4[%get3A_20, %get3A_21] : memref<64x2xf32, #tpu.memory_space<vmem>>, vector<64x2xf32>
    %dot_general3A = arith.constant dense<0.000000e+00> : vector<1000x2xf32>
    %dot_general3A_23 = tpu.matmul %max3A_19, %get3A_22, %dot_general3A {dimension_numbers = #tpu.dot_dimension_numbers<[1], [0], [0], [1], [0, 0, 1, 1], [], []>, transpose_lhs_hint = false} : vector<1000x64xf32>, vector<64x2xf32>, vector<1000x2xf32> -> vector<1000x2xf32>
    %get3A_24 = arith.constant 0 : index
    %get3A_25 = arith.constant 0 : index
    %get3A_26 = vector.load %arg5[%get3A_24, %get3A_25] : memref<1x2xf32, #tpu.memory_space<vmem>>, vector<1x2xf32>
    %add3A_27 = vector.broadcast %get3A_26 : vector<1x2xf32> to vector<1000x2xf32>
    %add3A_28 = arith.addf %dot_general3A_23, %add3A_27 : vector<1000x2xf32>
    %swap3A = arith.constant 0 : index
    %swap3A_29 = arith.constant 0 : index
    %swap3A_30 = vector.load %arg6[%swap3A, %swap3A_29] : memref<1000x2xf32, #tpu.memory_space<vmem>>, vector<1000x2xf32>
    tpu.vector_store %arg6[%swap3A, %swap3A_29], %add3A_28 {strides = array<i32>} : memref<1000x2xf32, #tpu.memory_space<vmem>>, vector<1000x2xf32>,
    return
  }
  func.func @transform_0(%arg0: i32) -> (i32, i32, i32) {
    %c0_i32 = arith.constant 0 : i32
    %c0_i32_0 = arith.constant 0 : i32
    %c0_i32_1 = arith.constant 0 : i32
    return %c0_i32, %arg0, %c0_i32_0 : i32, i32, i32
  }
  func.func @transform_1(%arg0: i32) -> (i32, i32) {
    %c0_i32 = arith.constant 0 : i32
    %c0_i32_0 = arith.constant 0 : i32
    return %arg0, %c0_i32 : i32, i32
  }
  func.func @transform_2(%arg0: i32) -> (i32, i32) {
    %c0_i32 = arith.constant 0 : i32
    %c0_i32_0 = arith.constant 0 : i32
    %c0_i32_1 = arith.constant 0 : i32
    return %c0_i32, %c0_i32_0 : i32, i32
  }
  func.func @transform_3(%arg0: i32) -> (i32, i32) {
    %c0_i32 = arith.constant 0 : i32
    %c0_i32_0 = arith.constant 0 : i32
    %c0_i32_1 = arith.constant 0 : i32
    return %c0_i32, %c0_i32_0 : i32, i32
  }
  func.func @transform_4(%arg0: i32) -> (i32, i32) {
    %c0_i32 = arith.constant 0 : i32
    %c0_i32_0 = arith.constant 0 : i32
    %c0_i32_1 = arith.constant 0 : i32
    return %c0_i32, %c0_i32_0 : i32, i32
  }
  func.func @transform_5(%arg0: i32) -> (i32, i32) {
    %c0_i32 = arith.constant 0 : i32
    %c0_i32_0 = arith.constant 0 : i32
    return %arg0, %c0_i32 : i32, i32
  }
}

</mosaic_0001>

<sc_bundles>
// kernel: kernel.11.cloned.1.call-start
scs
__scs_entry_jumppad:
0x0: {  	(pc) =	sbr.rel $0x88, $3  }
0x1: {  	(tag) =	ssettag $0x0;
	lr =	simm.s32 $0x1  }
0x2: {  	[smem:$0x3F99] =	sst lr;
	_ =	strace $0xD0000000  }
0x3: {  	_ = 	snop  }
0x4: {  	_ = 	snop  }
0x5: {  	_ = 	snop  }
0x6: {  	_ = 	snop  }
0x7: {  	_ = 	snop  }
__scs_overlays_trampoline_lowered:
0x8: {  	[smem:$0x3FA8] =	sst s0  }
0x9: {  	[smem:$0x3FA9] =	sst s1  }
0xa: {  	[smem:$0x3FAA] =	sst s2  }
0xb: {  	[smem:$0x3FAB] =	sst s3  }
0xc: {  	[smem:$0x3FAC] =	sst s4  }
0xd: {  	[smem:$0x3FAD] =	sst s5  }
0xe: {  	[smem:$0x3FAE] =	sst s6  }
0xf: {  	[smem:$0x3FAF] =	sst s7  }
0x10: {  	[smem:$0x3FB0] =	sst s8  }
0x11: {  	[smem:$0x3FB1] =	sst s9;
	s0 =	simm.s32 @!p0 $0x0  }
0x12: {  	s1 =	sld [smem:$0x3F97];
	s0 =	simm.s32 @p0 $0x1  }
0x13: {  	[smem:$0x3FB2] =	sst s0;
	s0 =	simm.s32 @!p1 $0x0  }
0x14: {  	s2 =	sld [smem:$0x3F96];
	s0 =	simm.s32 @p1 $0x1  }
0x15: {  	[smem:$0x3FB3] =	sst s0;
	s0 =	simm.s32 @!p2 $0x0  }
0x16: {  	s3 =	sld [smem:$0x3FDB];
	s0 =	simm.s32 @p2 $0x1  }
0x17: {  	s4 =	simm.s32 $0x1BF5;
	[smem:$0x3FB5] =	sst s0  }
0x18: {  	s0 =	sld [smem:$0x3F98];
	_ =	swait.ge [sflag:s4], $0x0  }
0x19: {  	s7 =	sld [smem:$0x3F99]  }
0x1a: {  	s8 =	sadd.s32 $0xFFFFE003, lr  }
0x1b: {  	s9 =	sadd.s32 $0xFFFFFEF7, lr;
	s5 =	simm.s32 $0xFFFFFFFF;
	p2 =	slt.u32 s8, $0xFFFFF086  }
0x1c: {  	p1 =	slt.u32 s9, $0xF7A;
	s5 =	simm.s32 @!p2 $0x0  }
0x1d: {  	s5 =	simm.s32 @p1 $0x1;
	p0 =	seq.s32 s7, s2  }
0x1e: {  	s7 =	smul.u32 @!p0 $0xF7A, s2;
	p2 =	seq.s32 @!p0 s5, $0x0  }
0x1f: {  	s9 =	smul.u32 $0xF7A, s1;
	s8 =	simm.s32 @!p0 $0x1BF5;
	p2 =	por !p2, p0  }
0x20: {  	[sflag:s8] =	ssyncset.s32 @!p0 $0xFFFFF086;
	s6 =	sadd.s32 @!p0 s3, s7;
	s7 =	simm.s32 @!p0 $0x108  }
0x21: {  	s3 =	sadd.s32 s3, s9;
	s6 =	sadd.s32 @!p0 $0x88, s6;
	s7 =	simm.s32 @p2 $0x1082  }
0x22: {  	[simem:s7], [sflag:s8] =	dma.local @!p0 [hbm:s6], $0xF7A  }
0x23: {  	s9 =	sor.u32 $0xD0000000, s2;
	s6 =	simm.s32 $0x108;
	_ =	swait.ge @!p0 [sflag:s8], $0x0  }
0x24: {  	s3 =	sadd.s32 $0x88, s3;
	s6 =	simm.s32 @!p1 $0x1082;
	[sflag:s4] =	ssyncset.s32 $0xFFFFF086  }
0x25: {  	[simem:s6], [sflag:s4] =	dma.local [hbm:s3], $0xF7A  }
0x26: {  	[smem:$0x3F99] =	sst s1;
	(tag) =	ssettag s2;
	_ =	strace s9  }
0x27: {  	s1 =	sld [smem:$0x3FA9]  }
0x28: {  	s2 =	sld [smem:$0x3FAA]  }
0x29: {  	s4 =	sld [smem:$0x3FAC]  }
0x2a: {  	p0 =	seq.s32 s5, $0x0;
	s5 =	sld [smem:$0x3FAD]  }
0x2b: {  	s6 =	sld [smem:$0x3FAE]  }
0x2c: {  	s7 =	sld [smem:$0x3FAF]  }
0x2d: {  	s3 =	simm.s32 $0x108;
	s8 =	sld [smem:$0x3FB0]  }
0x2e: {  	s3 =	simm.s32 @!p0 $0x1082;
	s9 =	sld [smem:$0x3FB1]  }
0x2f: {  	lr =	sadd.s32 s0, s3;
	s0 =	sld [smem:$0x3FA8]  }
0x30: {  	s3 =	sld [smem:$0x3FAB]  }
0x31: {  	[smem:$0x3FB4] =	sst s10  }
0x32: {  	s10 =	sld [smem:$0x3FB2];
	_ =	sdelay $0x3  }
0x33: {  	p0 =	seq.s32 s10, $0x1;
	s10 =	sld [smem:$0x3FB4];
	_ =	sdelay $0x3  }
0x34: {  	[smem:$0x3FB4] =	sst s10  }
0x35: {  	s10 =	sld [smem:$0x3FB3];
	_ =	sdelay $0x3  }
0x36: {  	p1 =	seq.s32 s10, $0x1;
	s10 =	sld [smem:$0x3FB4];
	_ =	sdelay $0x3  }
0x37: {  	[smem:$0x3FB4] =	sst s10  }
0x38: {  	s10 =	sld [smem:$0x3FB5]  }
0x39: {  	_ = 	snop;
	(pc) =	sbr.ind lr, $3  }
0x3a: {  	_ = 	snop  }
0x3b: {  	_ = 	snop  }
0x3c: {  	p2 =	seq.s32 s10, $0x1;
	s10 =	sld [smem:$0x3FB4]  }
0x3d: {  	_ =	shalt  }
0x3e: {  	_ =	shalt  }
0x3f: {  	_ =	shalt  }
0x40: {  	_ =	shalt  }
0x41: {  	_ =	shalt  }
0x42: {  	_ =	shalt  }
0x43: {  	_ =	shalt  }
0x44: {  	_ =	shalt  }
0x45: {  	_ =	shalt  }
0x46: {  	_ =	shalt  }
0x47: {  	_ =	shalt  }
0x48: {  	_ =	shalt  }
0x49: {  	_ =	shalt  }
0x4a: {  	_ =	shalt  }
0x4b: {  	_ =	shalt  }
0x4c: {  	_ =	shalt  }
0x4d: {  	_ =	shalt  }
0x4e: {  	_ =	shalt  }
0x4f: {  	_ =	shalt  }
0x50: {  	_ =	shalt  }
0x51: {  	_ =	shalt  }
0x52: {  	_ =	shalt  }
0x53: {  	_ =	shalt  }
0x54: {  	_ =	shalt  }
0x55: {  	_ =	shalt  }
0x56: {  	_ =	shalt  }
0x57: {  	_ =	shalt  }
0x58: {  	_ =	shalt  }
0x59: {  	_ =	shalt  }
0x5a: {  	_ =	shalt  }
0x5b: {  	_ =	shalt  }
0x5c: {  	_ =	shalt  }
0x5d: {  	_ =	shalt  }
0x5e: {  	_ =	shalt  }
0x5f: {  	_ =	shalt  }
0x60: {  	_ =	shalt  }
0x61: {  	_ =	shalt  }
0x62: {  	_ =	shalt  }
0x63: {  	_ =	shalt  }
0x64: {  	_ =	shalt  }
0x65: {  	_ =	shalt  }
0x66: {  	_ =	shalt  }
0x67: {  	_ =	shalt  }
0x68: {  	_ =	shalt  }
0x69: {  	_ =	shalt  }
0x6a: {  	_ =	shalt  }
0x6b: {  	_ =	shalt  }
0x6c: {  	_ =	shalt  }
0x6d: {  	_ =	shalt  }
0x6e: {  	_ =	shalt  }
0x6f: {  	_ =	shalt  }
0x70: {  	_ =	shalt  }
0x71: {  	_ =	shalt  }
0x72: {  	_ =	shalt  }
0x73: {  	_ =	shalt  }
0x74: {  	_ =	shalt  }
0x75: {  	_ =	shalt  }
0x76: {  	_ =	shalt  }
0x77: {  	_ =	shalt  }
0x78: {  	_ =	shalt  }
0x79: {  	_ =	shalt  }
0x7a: {  	_ =	shalt  }
0x7b: {  	_ =	shalt  }
0x7c: {  	_ =	shalt  }
0x7d: {  	_ =	shalt  }
0x7e: {  	_ =	shalt  }
0x7f: {  	_ =	shalt  }
0x80: {  	_ =	shalt  }
0x81: {  	_ =	shalt  }
0x82: {  	_ =	shalt  }
0x83: {  	_ =	shalt  }
0x84: {  	_ =	shalt  }
0x85: {  	_ =	shalt  }
0x86: {  	_ =	shalt  }
0x87: {  	_ =	shalt  }
.Lfunc_end0:
.L_simem_size_0:
called_computation.1_lowered:
.L_overlay_start_0:
0x88: {  	s2 =	sld [smem:$0x3FD9]  }
0x89: {  	s3 =	sld [smem:$0x3FFE];
	_ =	sdelay $0x1  }
0x8a: {  	s1 =	srdreg.scid  }
0x8b: {  	s0 =	sand.u32 $0x1, s1  }
0x8c: {  	s16 =	sshll.u32 s0, $0xA;
	s2 =	sadd.s32 s3, s2  }
0x8d: {  	s2 =	sadd.s32 s2, s16  }
0x8e: {  	[smem:$0x3FC0] =	sst s2  }
0x8f: {  	_ = 	snop  }
0x90: {  	(tm) =	ssettm $0x1  }
0x91: {  	s17 =	sld [smem:$0x3FFB];
	_ =	sdelay $0x3  }
0x92: {  	_ =	strace s17  }
0x93: {  	s2 =	sld [smem:$0x3FFC];
	_ =	sdelay $0x3  }
0x94: {  	_ =	strace s2  }
0x95: {  	s2 =	sld [smem:$0x3FFD];
	_ =	sdelay $0x3  }
0x96: {  	_ =	strace s2  }
0x97: {  	_ =	strace $0x8FFFFFFF  }
0x98: {  	s18 =	sld [smem:$0x3FDB];
	_ =	sdelay $0x1  }
0x99: {  	s19 =	simm.s32 $_scs_section_size  }
0x9a: {  	s4 =	simm.s32 $_size__tile_overlayer_lowered;
	s5 =	simm.s32 $_tile_overlayer_lowered  }
0x9b: {  	s22 =	simm.s32 $0x1BFF;
	s21 =	sshll.u32 s5, $0x1;
	s2 =	sadd.s32 s19, s18  }
0x9c: {  	s6 =	simm.s32 $0x0;
	s20 =	sshll.u32 s4, $0x1;
	s4 =	sadd.s32 s21, s2  }
0x9d: {  	[timem:s6], [sflag:s22] =	dma.local [hbm:s4], s20  }
0x9e: {  	_ =	swait.ge [sflag:s22], s20  }
0x9f: {  	s3 =	ssub.s32 $0x0, s20;
	[sflag:s22] =	ssyncset.done $0x0  }
0xa0: {  	[sflag:s22] =	ssyncadd.s32 s3;
	_ =	sdelay $0x1  }
0xa1: {  	s23 =	simm.s32 $0x1B8B  }
0xa2: {  	_ =	swait.ge [sflag:s23], $0x1  }
0xa3: {  	[sflag:s23] =	ssyncset.done $0x0  }
0xa4: {  	s25 =	simm.s32 $0x1B8E;
	s24 =	sld [smem:$0x3FFE];
	[sflag:s23] =	ssyncadd.s32 $0xFFFFFFFF  }
0xa5: {  	s26 =	simm.s32 $execute0_lowered;
	[smem:$0x3FD2] =	sst s25  }
0xa6: {  	s4 =	sshll.u32 s26, $0x1;
	_ =	strace $0x80000049;
	[dreg:$0x1] =	wrdreg $0xFFFFFFFF  }
0xa7: {  	s28 =	simm.s32 $_size_execute0_lowered;
	s2 =	sadd.s32 s2, s4;
	[dreg:$0x0] =	wrdreg $0x0  }
0xa8: {  	s4 =	sshll.u32 s28, $0x1;
	[dreg:$0x2] =	wrdreg s2  }
0xa9: {  	[dreg:$0x3] =	wrdreg s4  }
0xaa: {  	[dreg:$0x4] =	wrdreg $0xC0  }
0xab: {  	_ =	task [dreg:s6], $0x5FFFF  }
0xac: {  	[dreg:$0x1] =	wrdreg $0xFFFFFFFF  }
0xad: {  	[dreg:$0x0] =	wrdreg $0x60  }
0xae: {  	[dreg:$0x2] =	wrdreg s24  }
0xaf: {  	[dreg:$0x3] =	wrdreg $0xB0000  }
0xb0: {  	[dreg:$0x4] =	wrdreg $0x9  }
0xb1: {  	_ =	task.clear_ibuf [dreg:s6], $0x5FFFF;
	_ =	strace $0x90000049  }
0xb2: {  	s29 =	simm.s32 $0x9;
	_ =	strace $0x8000004B  }
0xb3: {  	_ =	swait.ge [sflag:s29], $0x1  }
0xb4: {  	[sflag:s29] =	ssyncadd.s32 $0xFFFFFFFF  }
0xb5: {  	_ =	strace $0x9000004B  }
0xb6: {  	_ =	sfence  }
0xb7: {  	s30 =	sld [smem:$0x0];
	_ =	sdelay $0x2  }
0xb8: {  	s31 =	sshll.u32 s1, $0xD;
	s1 =	sshrl.u32 s1, $0x2  }
0xb9: {  	s3 =	sand.u32 $0x4000, s31;
	s1 =	sadd.s32 s1, s30  }
0xba: {  	s0 =	sor.u32 s3, s0;
	s1 =	sshll.u32 s1, $0x11  }
0xbb: {  	s0 =	sor.u32 s1, s0  }
0xbc: {  	s0 =	sadd.s32 $0x8F2B, s0  }
0xbd: {  	[sflag:s0] =	ssyncadd.remote.s32 $0x1  }
0xbe: {  	_ =	sfence.sel $0xFFFF  }
0xbf: {  	[dreg:$0x0] =	wrdreg $0xFFFFFFFF;
	(pc) =	sbr.abs _section_cstart, $3  }
0xc0: {  	[dreg:$0x1] =	wrdreg $0xFFFFFFFF  }
0xc1: {  	_ =	task.clear_ibuf [dreg:s6], $0x2FFFF;
	_ =	strace $0x9FFFFFFF  }
0xc2: {  	(tm) =	ssettm $0x7FFFFFFF  }
0xc3: {  	_ =	shalt  }
tec
execute0_lowered:
.L_overlay_start_1:
0x0: {  	(tag) =	ssettag $0x1  }
0x1: {  	s0 =	rddreg [dreg:$0x0]  }
0x2: {  	s1 =	rddreg [dreg:$0x1];
	s2 =	srdreg.scid  }
0x3: {  	s3 =	simm.s32 $0x0;
	s17 =	simm.s32 $0xC00;
	s18 =	simm.s32 $0x3000  }
0x4: {  	s19 =	simm.s32 $0x3;
	s20 =	simm.s32 $0x1;
	s21 =	simm.s32 $0x80  }
0x5: {  	s22 =	simm.s32 $0x2;
	s23 =	simm.s32 $0x7000;
	s8 =	sand.u32 $0x1, s2  }
0x6: {  	s24 =	simm.s32 $0x0;
	s2 =	stileid.u32;
	s5 =	smul.u32 $0x13C000, s8  }
0x7: {  	[smem:$0x7FF] =	sst s3;
	s6 =	smul.u32 $0x13C00, s2;
	s4 =	sshll.u32 s2, $0x1  }
0x8: {  	_ =	strace $0x8000004A;
	s26 =	ssub.s32 $0x2, s8;
	s9 =	smul.u32 $0x4F000, s2  }
0x9: {  	s11 =	smul.u32 $0x2780, s2;
	p0 =	seq.s32 s8, $0x1;
	s7 =	sor.u32 s8, s4  }
0xa: {  	s4 =	sadd.s32 $0x2600, s0;
	s28 =	sshrl.u32 s26, $0x1;
	s5 =	sadd.s32 s6, s5  }
0xb: {  	s13 =	smul.u32 $0x6000, s7;
	s9 =	sshrl.u32 s9, $0x2;
	s15 =	ssub.s32 s26, s28  }
0xc: {  	s29 =	sadd.s32 s4, s11;
	s6 =	sshrl.u32 s5, $0x3;
	s5 =	sadd.s32 $0x5B600, s0  }
0xd: {  	s7 =	sadd.s32 s9, s1;
	[dreg:$0x3] =	wrdreg s29;
	s15 =	smax.u32 s15, $0x1  }
0xe: {  	s0 =	sadd.s32 s6, s0;
	s10 =	sshrl.u32 s13, $0x3;
	s30 =	sadd.s32 $0x4000, s7  }
0xf: {  	s31 =	sadd.s32 $0x8000, s7;
	s11 =	sadd.s32 $0xC000, s7;
	s12 =	sadd.s32 $0x10000, s7  }
0x10: {  	s13 =	sor.u32 $0x1800, s13;
	s6 =	sadd.s32 s5, s10;
	[dreg:$0x4] =	wrdreg s30  }
0x11: {  	v0 =	vimm.f32 $0.0e+00;
	[dreg:$0x5] =	wrdreg s31;
	s14 =	sadd.s32 $0x73600, s0;
	s16 =	sadd.s32 $0x180, s6  }
.LBB2_1:
.Ltmp0:
0x12: {  	(pc) =	sbr.rel @!p0 .LBB2_2-.Ltmp0, $4  }
0x13: {  	_ = 	snop  }
0x14: {  	[tilespmem:s3], [sflag:$0x1] =	stream.linear.gather [hbm4b:s6+s3], $0xA00, $0x38;
	[tilespmem:$0x1EC00] =	vst v63  }
0x15: {  	_ = 	snop  }
0x16: {  	[tilespmem:s17], [sflag:$0x1] =	stream.linear.gather [hbm4b:s16+s3], $0xA00, $0x38;
	[tilespmem:$0x1EC00] =	vst v63  }
0x17: {  	s25 =	sshra.s32 s3, $0x2;
	s0 =	sadd.s32 $0x200, s3  }
.LBB2_4:
0x18: {  	p1 =	sne.s32 s0, $0xFE00;
	[tilespmem:s25+$0x3070] =	vst v0  }
0x19: {  	[tilespmem:s25+$0x3000] =	vst v0  }
0x1a: {  	[tilespmem:s25+$0x3010] =	vst v0  }
.Ltmp1:
0x1b: {  	[tilespmem:s25+$0x3020] =	vst v0;
	(pc) =	sbr.rel @p1 .LBB2_4-.Ltmp1, $4  }
0x1c: {  	[tilespmem:s25+$0x3030] =	vst v0  }
0x1d: {  	[tilespmem:s25+$0x3040] =	vst v0  }
0x1e: {  	[tilespmem:s25+$0x3050] =	vst v0  }
0x1f: {  	[tilespmem:s25+$0x3060] =	vst v0;
	s25 =	sshra.s32 s0, $0x2;
	s0 =	sadd.s32 $0x200, s0  }
0x20: {  	[tilespmem:s25+$0x3070] =	vst v0  }
0x21: {  	[tilespmem:s25+$0x3000] =	vst v0  }
0x22: {  	[tilespmem:s25+$0x3010] =	vst v0  }
0x23: {  	[tilespmem:s25+$0x3020] =	vst v0  }
0x24: {  	[tilespmem:s25+$0x3030] =	vst v0  }
0x25: {  	[tilespmem:s25+$0x3040] =	vst v0  }
0x26: {  	[tilespmem:s25+$0x3050] =	vst v0  }
0x27: {  	[tilespmem:s25+$0x3060] =	vst v0  }
0x28: {  	[spmem:s7] =	stream.linear.scatter [tilespmem:s18], [sflag:$0x3], $0x4000, $0x38;
	[tilespmem:$0x1EC00] =	vst v63  }
0x29: {  	_ =	swait.ge [sflag:s19], $0x4000  }
0x2a: {  	[sflag:s19] =	ssyncset.done $0x0  }
0x2b: {  	s0 =	rddreg [dreg:$0x4];
	[sflag:s19] =	ssyncadd.s32 $0xFFFFC000  }
0x2c: {  	[spmem:s0] =	stream.linear.scatter [tilespmem:s18], [sflag:$0x3], $0x4000, $0x38;
	[tilespmem:$0x1EC00] =	vst v63  }
0x2d: {  	_ =	swait.ge [sflag:s19], $0x4000  }
0x2e: {  	[sflag:s19] =	ssyncset.done $0x0  }
0x2f: {  	s31 =	rddreg [dreg:$0x5];
	[sflag:s19] =	ssyncadd.s32 $0xFFFFC000  }
0x30: {  	[spmem:s31] =	stream.linear.scatter [tilespmem:s18], [sflag:$0x3], $0x4000, $0x38;
	[tilespmem:$0x1EC00] =	vst v63  }
0x31: {  	_ =	swait.ge [sflag:s19], $0x4000  }
0x32: {  	[sflag:s19] =	ssyncset.done $0x0  }
0x33: {  	[sflag:s19] =	ssyncadd.s32 $0xFFFFC000  }
0x34: {  	[spmem:s11] =	stream.linear.scatter [tilespmem:s18], [sflag:$0x3], $0x4000, $0x38;
	[tilespmem:$0x1EC00] =	vst v63  }
0x35: {  	_ =	swait.ge [sflag:s19], $0x4000  }
0x36: {  	[sflag:s19] =	ssyncset.done $0x0  }
.Ltmp2:
0x37: {  	[sflag:s19] =	ssyncadd.s32 $0xFFFFC000;
	(pc) =	sbr.rel .LBB2_6-.Ltmp2, $4  }
0x38: {  	[spmem:s12] =	stream.linear.scatter [tilespmem:s18], [sflag:$0x3], $0x3C00, $0x38;
	[tilespmem:$0x1EC00] =	vst v63  }
0x39: {  	_ =	swait.ge [sflag:s19], $0x3C00  }
0x3a: {  	[sflag:s19] =	ssyncset.done $0x0  }
0x3b: {  	[sflag:s19] =	ssyncadd.s32 $0xFFFFC400  }
.LBB2_2:
0x3c: {  	s0 =	sshll.u32 s2, $0x6  }
0x3d: {  	s25 =	sshrl.u32 s7, $0x3;
	s8 =	rddreg [dreg:$0x3];
	s0 =	sor.u32 $0x1C03, s0  }
0x3e: {  	[spmem:s25], [sflag:s0] =	dma.local [hbm:s8], $0x2780  }
0x3f: {  	_ =	swait.ge [sflag:s19], $0x2780  }
0x40: {  	[sflag:s19] =	ssyncset.done $0x0  }
0x41: {  	[sflag:s19] =	ssyncadd.s32 $0xFFFFD880  }
.LBB2_6:
0x42: {  	[bflag:$0x0] =	sbarrier.arrive $0xFFFF;
	s25 =	simm.s32 $0x0;
	p1 =	por $0x0, $0x0  }
.LBB2_7:
0x43: {  	p2 =	seq.s32 s25, $0x3;
	s0 =	sand.u32 $0x1, s25;
	s28 =	simm.s32 $0x1  }
0x44: {  	_ =	swait.ge [sflag:s20], $0x1400;
	s26 =	smul.u32 @!p2 $0x1800, s25;
	s29 =	sxor.u32 @!p2 $0x1, s0  }
0x45: {  	[sflag:s20] =	ssyncset.done $0x0;
	s28 =	simm.s32 @!p1 $0x0;
	s29 =	smul.u32 @!p2 $0x6000, s29  }
0x46: {  	s30 =	simm.s32 @!p2 $0x0;
	s28 =	smul.u32 $0x6000, s28;
	s26 =	sadd.s32 @!p2 s26, s13  }
0x47: {  	s0 =	smul.u32 $0x6000, s0;
	[sflag:s20] =	ssyncadd.s32 $0xFFFFEC00;
	s26 =	sshrl.u32 @!p2 s26, $0x3  }
0x48: {  	s29 =	sshrl.u32 @!p2 s29, $0x2;
	s9 =	sshrl.u32 s28, $0x2;
	s26 =	sadd.s32 @!p2 s5, s26  }
0x49: {  	[tilespmem:s29], [sflag:$0x1] =	stream.linear.gather @!p2 [hbm4b:s26+s30], $0xA00, $0x38;
	[tilespmem:$0x1EC00] =	vst v63  }
0x4a: {  	s28 =	simm.s32 $0x4000;
	s26 =	sadd.s32 @!p2 $0x180, s26;
	s29 =	sadd.s32 @!p2 $0xC00, s29  }
0x4b: {  	[tilespmem:s29], [sflag:$0x1] =	stream.linear.gather @!p2 [hbm4b:s26+s30], $0xA00, $0x38;
	[tilespmem:$0x1EC00] =	vst v63  }
0x4c: {  	s26 =	sshrl.u32 s0, $0x2;
	s0 =	sadd.s32 $0xC00, s9;
	s30 =	sand.u32 $0x4000, s28  }
0x4d: {  	[tilespmem:s18], [sflag:$0x2] =	stream.indirect.gather [hbm4b:s4+s21], $0x80, s26, s21, $0xb8;
	[tilespmem:$0x1EC00] =	vst v63  }
0x4e: {  	s28 =	sadd.s32 $0xFFFFF480, s0;
	s29 =	sor.u32 $0x3000, s30  }
0x4f: {  	[tilespmem:s29], [sflag:$0x2] =	stream.indirect.gather [hbm4b:s4+s21], $0x80, s28, s21, $0xb8;
	[tilespmem:$0x1EC00] =	vst v63  }
0x50: {  	_ =	swait.ge [sflag:s22], $0x4000  }
0x51: {  	s10 =	simm.s32 $0x8000;
	[sflag:s22] =	ssyncset.done $0x0  }
0x52: {  	s30 =	sxor.u32 $0x7000, s30;
	s28 =	sadd.s32 $0x80, s0;
	[sflag:s22] =	ssyncadd.s32 $0xFFFFC000  }
0x53: {  	[spmem:s1] =	stream.indirect.scatter.add.f32 [tilespmem:s30], [sflag:$0x3], $0x80, s0, s21, $0xb8;
	[tilespmem:$0x1EC00] =	vst v63  }
0x54: {  	s29 =	sadd.s32 $0xFFFFF480, s28;
	s31 =	sadd.s32 $0x80, s28;
	_ =	swait.ge [sflag:s19], $0x4000  }
0x55: {  	s30 =	simm.s32 $0x3;
	s0 =	sand.u32 $0x4000, s10;
	[sflag:s19] =	ssyncset.done $0x0  }
.LBB2_8:
0x56: {  	s8 =	sadd.s32 $0xFFFFF480, s31  }
0x57: {  	s9 =	sor.u32 $0x3000, s0;
	[sflag:s19] =	ssyncadd.s32 $0xFFFFC000;
	s10 =	smov.u32 s30  }
0x58: {  	[tilespmem:s9], [sflag:$0x2] =	stream.indirect.gather [hbm4b:s4+s21], $0x80, s29, s21, $0xb8;
	[tilespmem:$0x1EC00] =	vst v63  }
0x59: {  	p2 =	sne.s32 s30, $0x13;
	s30 =	sadd.s32 $0x1, s30;
	_ =	swait.ge [sflag:s22], $0x4000  }
.Ltmp3:
0x5a: {  	s29 =	smov.u32 s8;
	[sflag:s22] =	ssyncset.done $0x0;
	(pc) =	sbr.rel @p2 .LBB2_8-.Ltmp3, $4  }
0x5b: {  	s0 =	sxor.u32 $0x7000, s0;
	[sflag:s22] =	ssyncadd.s32 $0xFFFFC000  }
0x5c: {  	[spmem:s1] =	stream.indirect.scatter.add.f32 [tilespmem:s0], [sflag:$0x3], $0x80, s28, s21, $0xb8;
	[tilespmem:$0x1EC00] =	vst v63  }
0x5d: {  	s0 =	sshll.u32 s10, $0xE;
	s28 =	smov.u32 s31;
	_ =	swait.ge [sflag:s19], $0x4000  }
0x5e: {  	s31 =	sadd.s32 $0x80, s31;
	s0 =	sand.u32 $0x4000, s0;
	[sflag:s19] =	ssyncset.done $0x0  }
0x5f: {  	s8 =	sor.u32 $0x3000, s0;
	[sflag:s19] =	ssyncadd.s32 $0xFFFFC000  }
0x60: {  	[tilespmem:s8], [sflag:$0x2] =	stream.indirect.gather [hbm4b:s4+s21], $0x80, s29, s21, $0xb8;
	[tilespmem:$0x1EC00] =	vst v63  }
0x61: {  	_ =	swait.ge [sflag:s22], $0x4000  }
0x62: {  	[sflag:s22] =	ssyncset.done $0x0  }
0x63: {  	s30 =	sxor.u32 $0x7000, s0;
	[sflag:s22] =	ssyncadd.s32 $0xFFFFC000  }
0x64: {  	[spmem:s1] =	stream.indirect.scatter.add.f32 [tilespmem:s30], [sflag:$0x3], $0x80, s28, s21, $0xb8;
	[tilespmem:$0x1EC00] =	vst v63  }
0x65: {  	_ =	swait.ge [sflag:s19], $0x4000  }
0x66: {  	[sflag:s19] =	ssyncset.done $0x0  }
0x67: {  	[sflag:s19] =	ssyncadd.s32 $0xFFFFC000  }
0x68: {  	s25 =	sadd.s32 $0x1, s25;
	_ =	swait.ge [sflag:s22], $0x4000  }
0x69: {  	p2 =	sne.s32 s25, $0x4;
	[sflag:s22] =	ssyncset.done $0x0  }
.Ltmp4:
0x6a: {  	s31 =	sadd.s32 $0x1580, s26;
	[sflag:s22] =	ssyncadd.s32 $0xFFFFC000;
	(pc) =	sbr.rel @p2 .LBB2_7-.Ltmp4, $4  }
0x6b: {  	[spmem:s1] =	stream.indirect.scatter.add.f32 [tilespmem:s23], [sflag:$0x3], $0x80, s31, s21, $0xb8;
	[tilespmem:$0x1EC00] =	vst v63  }
0x6c: {  	_ =	swait.ge [sflag:s19], $0x4000  }
0x6d: {  	[sflag:s19] =	ssyncset.done $0x0  }
0x6e: {  	p1 =	por !p1, !p1;
	[sflag:s19] =	ssyncadd.s32 $0xFFFFC000  }
0x6f: {  	s24 =	sadd.s32 $0x1, s24  }
0x70: {  	s0 =	sshll.u32 s2, $0x6;
	[bflag:$0x0] =	sbarrier.arrive $0xFFFF;
	p1 =	sne.s32 s24, s15  }
.Ltmp5:
0x71: {  	s8 =	sshrl.u32 s7, $0x3;
	s0 =	sor.u32 $0x1C03, s0;
	(pc) =	sbr.rel @p1 .LBB2_1-.Ltmp5, $4  }
0x72: {  	[hbm:s14], [sflag:s0] =	dma.local [spmem:s8], $0x2780  }
0x73: {  	_ =	swait.ge [sflag:s19], $0x2780  }
0x74: {  	[sflag:s19] =	ssyncset.done $0x0  }
0x75: {  	[sflag:s19] =	ssyncadd.s32 $0xFFFFD880  }
0x76: {  	_ =	sfence.sel $0x180000  }
0x77: {  	[bflag:$0x0] =	sbarrier.arrive $0xFFFF  }
0x78: {  	_ =	strace $0x9000004A  }
0x79: {  	[bflag:$0x2] =	sbarrier.arrive $0xFFFF  }
0x7a: {  	p0 =	sne.s32 s2, $0x0;
	s0 =	rddreg [dreg:$0x2]  }
0x7b: {  	s0 =	sadd.s32 @!p0 $0x100000, s0  }
0x7c: {  	[sflag:s0] =	ssyncadd.tile.s32 @!p0 $0x1;
	_ =	shalt  }
.Lfunc_end2:
_tile_overlayer_lowered:
.L_overlay_start_2:
0x7d: {  	(tag) =	ssettag $0x2  }
0x7e: {  	s0 =	rddreg [dreg:$0x0];
	s2 =	stileid.u32  }
0x7f: {  	s1 =	rddreg [dreg:$0x1];
	p0 =	sne.s32 s2, $0x0  }
0x80: {  	s3 =	rddreg [dreg:$0x2];
	[bflag:$0x3] =	sbarrier.arrive $0xFFFF;
	s2 =	simm.s32 @!p0 $0x1C03  }
0x81: {  	[timem:s3], [sflag:s2] =	dma.local @!p0 [hbm:s0], s1  }
0x82: {  	s0 =	simm.s32 @!p0 $0x3  }
0x83: {  	_ =	swait.ge @!p0 [sflag:s0], s1  }
0x84: {  	s1 =	ssub.s32 @!p0 $0x0, s1;
	[sflag:s0] =	ssyncset.done @!p0 $0x0  }
0x85: {  	[sflag:s0] =	ssyncadd.s32 @!p0 s1  }
0x86: {  	[bflag:$0x3] =	sbarrier.arrive $0xFFFF  }
0x87: {  	_ =	shalt  }

// kernel: kernel.14.cloned.1.call-start
scs
__scs_entry_jumppad:
0x0: {  	(pc) =	sbr.rel $0x88, $3  }
0x1: {  	(tag) =	ssettag $0x0;
	lr =	simm.s32 $0x1  }
0x2: {  	[smem:$0x3F99] =	sst lr;
	_ =	strace $0xD0000000  }
0x3: {  	_ = 	snop  }
0x4: {  	_ = 	snop  }
0x5: {  	_ = 	snop  }
0x6: {  	_ = 	snop  }
0x7: {  	_ = 	snop  }
__scs_overlays_trampoline_lowered:
0x8: {  	[smem:$0x3FA8] =	sst s0  }
0x9: {  	[smem:$0x3FA9] =	sst s1  }
0xa: {  	[smem:$0x3FAA] =	sst s2  }
0xb: {  	[smem:$0x3FAB] =	sst s3  }
0xc: {  	[smem:$0x3FAC] =	sst s4  }
0xd: {  	[smem:$0x3FAD] =	sst s5  }
0xe: {  	[smem:$0x3FAE] =	sst s6  }
0xf: {  	[smem:$0x3FAF] =	sst s7  }
0x10: {  	[smem:$0x3FB0] =	sst s8  }
0x11: {  	[smem:$0x3FB1] =	sst s9;
	s0 =	simm.s32 @!p0 $0x0  }
0x12: {  	s1 =	sld [smem:$0x3F97];
	s0 =	simm.s32 @p0 $0x1  }
0x13: {  	[smem:$0x3FB2] =	sst s0;
	s0 =	simm.s32 @!p1 $0x0  }
0x14: {  	s2 =	sld [smem:$0x3F96];
	s0 =	simm.s32 @p1 $0x1  }
0x15: {  	[smem:$0x3FB3] =	sst s0;
	s0 =	simm.s32 @!p2 $0x0  }
0x16: {  	s3 =	sld [smem:$0x3FDB];
	s0 =	simm.s32 @p2 $0x1  }
0x17: {  	s4 =	simm.s32 $0x1BF5;
	[smem:$0x3FB5] =	sst s0  }
0x18: {  	s0 =	sld [smem:$0x3F98];
	_ =	swait.ge [sflag:s4], $0x0  }
0x19: {  	s7 =	sld [smem:$0x3F99]  }
0x1a: {  	s8 =	sadd.s32 $0xFFFFE003, lr  }
0x1b: {  	s9 =	sadd.s32 $0xFFFFFEF7, lr;
	s5 =	simm.s32 $0xFFFFFFFF;
	p2 =	slt.u32 s8, $0xFFFFF086  }
0x1c: {  	p1 =	slt.u32 s9, $0xF7A;
	s5 =	simm.s32 @!p2 $0x0  }
0x1d: {  	s5 =	simm.s32 @p1 $0x1;
	p0 =	seq.s32 s7, s2  }
0x1e: {  	s7 =	smul.u32 @!p0 $0xF7A, s2;
	p2 =	seq.s32 @!p0 s5, $0x0  }
0x1f: {  	s9 =	smul.u32 $0xF7A, s1;
	s8 =	simm.s32 @!p0 $0x1BF5;
	p2 =	por !p2, p0  }
0x20: {  	[sflag:s8] =	ssyncset.s32 @!p0 $0xFFFFF086;
	s6 =	sadd.s32 @!p0 s3, s7;
	s7 =	simm.s32 @!p0 $0x108  }
0x21: {  	s3 =	sadd.s32 s3, s9;
	s6 =	sadd.s32 @!p0 $0x88, s6;
	s7 =	simm.s32 @p2 $0x1082  }
0x22: {  	[simem:s7], [sflag:s8] =	dma.local @!p0 [hbm:s6], $0xF7A  }
0x23: {  	s9 =	sor.u32 $0xD0000000, s2;
	s6 =	simm.s32 $0x108;
	_ =	swait.ge @!p0 [sflag:s8], $0x0  }
0x24: {  	s3 =	sadd.s32 $0x88, s3;
	s6 =	simm.s32 @!p1 $0x1082;
	[sflag:s4] =	ssyncset.s32 $0xFFFFF086  }
0x25: {  	[simem:s6], [sflag:s4] =	dma.local [hbm:s3], $0xF7A  }
0x26: {  	[smem:$0x3F99] =	sst s1;
	(tag) =	ssettag s2;
	_ =	strace s9  }
0x27: {  	s1 =	sld [smem:$0x3FA9]  }
0x28: {  	s2 =	sld [smem:$0x3FAA]  }
0x29: {  	s4 =	sld [smem:$0x3FAC]  }
0x2a: {  	p0 =	seq.s32 s5, $0x0;
	s5 =	sld [smem:$0x3FAD]  }
0x2b: {  	s6 =	sld [smem:$0x3FAE]  }
0x2c: {  	s7 =	sld [smem:$0x3FAF]  }
0x2d: {  	s3 =	simm.s32 $0x108;
	s8 =	sld [smem:$0x3FB0]  }
0x2e: {  	s3 =	simm.s32 @!p0 $0x1082;
	s9 =	sld [smem:$0x3FB1]  }
0x2f: {  	lr =	sadd.s32 s0, s3;
	s0 =	sld [smem:$0x3FA8]  }
0x30: {  	s3 =	sld [smem:$0x3FAB]  }
0x31: {  	[smem:$0x3FB4] =	sst s10  }
0x32: {  	s10 =	sld [smem:$0x3FB2];
	_ =	sdelay $0x3  }
0x33: {  	p0 =	seq.s32 s10, $0x1;
	s10 =	sld [smem:$0x3FB4];
	_ =	sdelay $0x3  }
0x34: {  	[smem:$0x3FB4] =	sst s10  }
0x35: {  	s10 =	sld [smem:$0x3FB3];
	_ =	sdelay $0x3  }
0x36: {  	p1 =	seq.s32 s10, $0x1;
	s10 =	sld [smem:$0x3FB4];
	_ =	sdelay $0x3  }
0x37: {  	[smem:$0x3FB4] =	sst s10  }
0x38: {  	s10 =	sld [smem:$0x3FB5]  }
0x39: {  	_ = 	snop;
	(pc) =	sbr.ind lr, $3  }
0x3a: {  	_ = 	snop  }
0x3b: {  	_ = 	snop  }
0x3c: {  	p2 =	seq.s32 s10, $0x1;
	s10 =	sld [smem:$0x3FB4]  }
0x3d: {  	_ =	shalt  }
0x3e: {  	_ =	shalt  }
0x3f: {  	_ =	shalt  }
0x40: {  	_ =	shalt  }
0x41: {  	_ =	shalt  }
0x42: {  	_ =	shalt  }
0x43: {  	_ =	shalt  }
0x44: {  	_ =	shalt  }
0x45: {  	_ =	shalt  }
0x46: {  	_ =	shalt  }
0x47: {  	_ =	shalt  }
0x48: {  	_ =	shalt  }
0x49: {  	_ =	shalt  }
0x4a: {  	_ =	shalt  }
0x4b: {  	_ =	shalt  }
0x4c: {  	_ =	shalt  }
0x4d: {  	_ =	shalt  }
0x4e: {  	_ =	shalt  }
0x4f: {  	_ =	shalt  }
0x50: {  	_ =	shalt  }
0x51: {  	_ =	shalt  }
0x52: {  	_ =	shalt  }
0x53: {  	_ =	shalt  }
0x54: {  	_ =	shalt  }
0x55: {  	_ =	shalt  }
0x56: {  	_ =	shalt  }
0x57: {  	_ =	shalt  }
0x58: {  	_ =	shalt  }
0x59: {  	_ =	shalt  }
0x5a: {  	_ =	shalt  }
0x5b: {  	_ =	shalt  }
0x5c: {  	_ =	shalt  }
0x5d: {  	_ =	shalt  }
0x5e: {  	_ =	shalt  }
0x5f: {  	_ =	shalt  }
0x60: {  	_ =	shalt  }
0x61: {  	_ =	shalt  }
0x62: {  	_ =	shalt  }
0x63: {  	_ =	shalt  }
0x64: {  	_ =	shalt  }
0x65: {  	_ =	shalt  }
0x66: {  	_ =	shalt  }
0x67: {  	_ =	shalt  }
0x68: {  	_ =	shalt  }
0x69: {  	_ =	shalt  }
0x6a: {  	_ =	shalt  }
0x6b: {  	_ =	shalt  }
0x6c: {  	_ =	shalt  }
0x6d: {  	_ =	shalt  }
0x6e: {  	_ =	shalt  }
0x6f: {  	_ =	shalt  }
0x70: {  	_ =	shalt  }
0x71: {  	_ =	shalt  }
0x72: {  	_ =	shalt  }
0x73: {  	_ =	shalt  }
0x74: {  	_ =	shalt  }
0x75: {  	_ =	shalt  }
0x76: {  	_ =	shalt  }
0x77: {  	_ =	shalt  }
0x78: {  	_ =	shalt  }
0x79: {  	_ =	shalt  }
0x7a: {  	_ =	shalt  }
0x7b: {  	_ =	shalt  }
0x7c: {  	_ =	shalt  }
0x7d: {  	_ =	shalt  }
0x7e: {  	_ =	shalt  }
0x7f: {  	_ =	shalt  }
0x80: {  	_ =	shalt  }
0x81: {  	_ =	shalt  }
0x82: {  	_ =	shalt  }
0x83: {  	_ =	shalt  }
0x84: {  	_ =	shalt  }
0x85: {  	_ =	shalt  }
0x86: {  	_ =	shalt  }
0x87: {  	_ =	shalt  }
.Lfunc_end0:
.L_simem_size_0:
called_computation.2_lowered:
.L_overlay_start_0:
0x88: {  	s2 =	sld [smem:$0x3FD9]  }
0x89: {  	s3 =	sld [smem:$0x3FFE];
	_ =	sdelay $0x1  }
0x8a: {  	s1 =	srdreg.scid  }
0x8b: {  	s0 =	sand.u32 $0x1, s1  }
0x8c: {  	s16 =	sshll.u32 s0, $0xA;
	s2 =	sadd.s32 s3, s2  }
0x8d: {  	s2 =	sadd.s32 s2, s16  }
0x8e: {  	[smem:$0x3FC0] =	sst s2  }
0x8f: {  	_ = 	snop  }
0x90: {  	(tm) =	ssettm $0x1  }
0x91: {  	s17 =	sld [smem:$0x3FFB];
	_ =	sdelay $0x3  }
0x92: {  	_ =	strace s17  }
0x93: {  	s2 =	sld [smem:$0x3FFC];
	_ =	sdelay $0x3  }
0x94: {  	_ =	strace s2  }
0x95: {  	s2 =	sld [smem:$0x3FFD];
	_ =	sdelay $0x3  }
0x96: {  	_ =	strace s2  }
0x97: {  	_ =	strace $0x8FFFFFFF  }
0x98: {  	s18 =	sld [smem:$0x3FDB];
	_ =	sdelay $0x1  }
0x99: {  	s19 =	simm.s32 $_scs_section_size  }
0x9a: {  	s4 =	simm.s32 $_size__tile_overlayer_lowered;
	s5 =	simm.s32 $_tile_overlayer_lowered  }
0x9b: {  	s22 =	simm.s32 $0x1BFF;
	s21 =	sshll.u32 s5, $0x1;
	s2 =	sadd.s32 s19, s18  }
0x9c: {  	s6 =	simm.s32 $0x0;
	s20 =	sshll.u32 s4, $0x1;
	s4 =	sadd.s32 s21, s2  }
0x9d: {  	[timem:s6], [sflag:s22] =	dma.local [hbm:s4], s20  }
0x9e: {  	_ =	swait.ge [sflag:s22], s20  }
0x9f: {  	s3 =	ssub.s32 $0x0, s20;
	[sflag:s22] =	ssyncset.done $0x0  }
0xa0: {  	[sflag:s22] =	ssyncadd.s32 s3;
	_ =	sdelay $0x1  }
0xa1: {  	s23 =	simm.s32 $0x1B8B  }
0xa2: {  	_ =	swait.ge [sflag:s23], $0x1  }
0xa3: {  	[sflag:s23] =	ssyncset.done $0x0  }
0xa4: {  	s25 =	simm.s32 $0x1B8E;
	s24 =	sld [smem:$0x3FFE];
	[sflag:s23] =	ssyncadd.s32 $0xFFFFFFFF  }
0xa5: {  	s26 =	simm.s32 $execute0_lowered;
	[smem:$0x3FD2] =	sst s25  }
0xa6: {  	s4 =	sshll.u32 s26, $0x1;
	_ =	strace $0x8000004C;
	[dreg:$0x1] =	wrdreg $0xFFFFFFFF  }
0xa7: {  	s28 =	simm.s32 $_size_execute0_lowered;
	s2 =	sadd.s32 s2, s4;
	[dreg:$0x0] =	wrdreg $0x0  }
0xa8: {  	s4 =	sshll.u32 s28, $0x1;
	[dreg:$0x2] =	wrdreg s2  }
0xa9: {  	[dreg:$0x3] =	wrdreg s4  }
0xaa: {  	[dreg:$0x4] =	wrdreg $0xC0  }
0xab: {  	_ =	task [dreg:s6], $0x5FFFF  }
0xac: {  	[dreg:$0x1] =	wrdreg $0xFFFFFFFF  }
0xad: {  	[dreg:$0x0] =	wrdreg $0x60  }
0xae: {  	[dreg:$0x2] =	wrdreg s24  }
0xaf: {  	[dreg:$0x3] =	wrdreg $0xB0000  }
0xb0: {  	[dreg:$0x4] =	wrdreg $0x9  }
0xb1: {  	_ =	task.clear_ibuf [dreg:s6], $0x5FFFF;
	_ =	strace $0x9000004C  }
0xb2: {  	s29 =	simm.s32 $0x9;
	_ =	strace $0x8000004E  }
0xb3: {  	_ =	swait.ge [sflag:s29], $0x1  }
0xb4: {  	[sflag:s29] =	ssyncadd.s32 $0xFFFFFFFF  }
0xb5: {  	_ =	strace $0x9000004E  }
0xb6: {  	_ =	sfence  }
0xb7: {  	s30 =	sld [smem:$0x0];
	_ =	sdelay $0x2  }
0xb8: {  	s31 =	sshll.u32 s1, $0xD;
	s1 =	sshrl.u32 s1, $0x2  }
0xb9: {  	s3 =	sand.u32 $0x4000, s31;
	s1 =	sadd.s32 s1, s30  }
0xba: {  	s0 =	sor.u32 s3, s0;
	s1 =	sshll.u32 s1, $0x11  }
0xbb: {  	s0 =	sor.u32 s1, s0  }
0xbc: {  	s0 =	sadd.s32 $0x8F2B, s0  }
0xbd: {  	[sflag:s0] =	ssyncadd.remote.s32 $0x1  }
0xbe: {  	_ =	sfence.sel $0xFFFF  }
0xbf: {  	[dreg:$0x0] =	wrdreg $0xFFFFFFFF;
	(pc) =	sbr.abs _section_cstart, $3  }
0xc0: {  	[dreg:$0x1] =	wrdreg $0xFFFFFFFF  }
0xc1: {  	_ =	task.clear_ibuf [dreg:s6], $0x2FFFF;
	_ =	strace $0x9FFFFFFF  }
0xc2: {  	(tm) =	ssettm $0x7FFFFFFF  }
0xc3: {  	_ =	shalt  }
tec
execute0_lowered:
.L_overlay_start_1:
0x0: {  	(tag) =	ssettag $0x1  }
0x1: {  	s0 =	rddreg [dreg:$0x0]  }
0x2: {  	s1 =	rddreg [dreg:$0x1];
	s2 =	srdreg.scid  }
0x3: {  	s3 =	simm.s32 $0x0;
	s17 =	simm.s32 $0xC00;
	s18 =	simm.s32 $0x3000  }
0x4: {  	s19 =	simm.s32 $0x3;
	s20 =	simm.s32 $0x1;
	s21 =	simm.s32 $0x80  }
0x5: {  	s22 =	simm.s32 $0x2;
	s23 =	simm.s32 $0x7000;
	s8 =	sand.u32 $0x1, s2  }
0x6: {  	s24 =	simm.s32 $0x0;
	s2 =	stileid.u32;
	s5 =	smul.u32 $0x13C000, s8  }
0x7: {  	[smem:$0x7FF] =	sst s3;
	s6 =	smul.u32 $0x13C00, s2;
	s4 =	sshll.u32 s2, $0x1  }
0x8: {  	_ =	strace $0x8000004D;
	s26 =	ssub.s32 $0x2, s8;
	s9 =	smul.u32 $0x4F000, s2  }
0x9: {  	s11 =	smul.u32 $0x2780, s2;
	p0 =	seq.s32 s8, $0x1;
	s7 =	sor.u32 s8, s4  }
0xa: {  	s4 =	sadd.s32 $0x2600, s0;
	s28 =	sshrl.u32 s26, $0x1;
	s5 =	sadd.s32 s6, s5  }
0xb: {  	s13 =	smul.u32 $0x6000, s7;
	s9 =	sshrl.u32 s9, $0x2;
	s15 =	ssub.s32 s26, s28  }
0xc: {  	s29 =	sadd.s32 s4, s11;
	s6 =	sshrl.u32 s5, $0x3;
	s5 =	sadd.s32 $0x5B600, s0  }
0xd: {  	s7 =	sadd.s32 s9, s1;
	[dreg:$0x3] =	wrdreg s29;
	s15 =	smax.u32 s15, $0x1  }
0xe: {  	s0 =	sadd.s32 s6, s0;
	s10 =	sshrl.u32 s13, $0x3;
	s30 =	sadd.s32 $0x4000, s7  }
0xf: {  	s31 =	sadd.s32 $0x8000, s7;
	s11 =	sadd.s32 $0xC000, s7;
	s12 =	sadd.s32 $0x10000, s7  }
0x10: {  	s13 =	sor.u32 $0x1800, s13;
	s6 =	sadd.s32 s5, s10;
	[dreg:$0x4] =	wrdreg s30  }
0x11: {  	v0 =	vimm.f32 $0.0e+00;
	[dreg:$0x5] =	wrdreg s31;
	s14 =	sadd.s32 $0x73600, s0;
	s16 =	sadd.s32 $0x180, s6  }
.LBB2_1:
.Ltmp0:
0x12: {  	(pc) =	sbr.rel @!p0 .LBB2_2-.Ltmp0, $4  }
0x13: {  	_ = 	snop  }
0x14: {  	[tilespmem:s3], [sflag:$0x1] =	stream.linear.gather [hbm4b:s6+s3], $0xA00, $0x38;
	[tilespmem:$0x1EC00] =	vst v63  }
0x15: {  	_ = 	snop  }
0x16: {  	[tilespmem:s17], [sflag:$0x1] =	stream.linear.gather [hbm4b:s16+s3], $0xA00, $0x38;
	[tilespmem:$0x1EC00] =	vst v63  }
0x17: {  	s25 =	sshra.s32 s3, $0x2;
	s0 =	sadd.s32 $0x200, s3  }
.LBB2_4:
0x18: {  	p1 =	sne.s32 s0, $0xFE00;
	[tilespmem:s25+$0x3070] =	vst v0  }
0x19: {  	[tilespmem:s25+$0x3000] =	vst v0  }
0x1a: {  	[tilespmem:s25+$0x3010] =	vst v0  }
.Ltmp1:
0x1b: {  	[tilespmem:s25+$0x3020] =	vst v0;
	(pc) =	sbr.rel @p1 .LBB2_4-.Ltmp1, $4  }
0x1c: {  	[tilespmem:s25+$0x3030] =	vst v0  }
0x1d: {  	[tilespmem:s25+$0x3040] =	vst v0  }
0x1e: {  	[tilespmem:s25+$0x3050] =	vst v0  }
0x1f: {  	[tilespmem:s25+$0x3060] =	vst v0;
	s25 =	sshra.s32 s0, $0x2;
	s0 =	sadd.s32 $0x200, s0  }
0x20: {  	[tilespmem:s25+$0x3070] =	vst v0  }
0x21: {  	[tilespmem:s25+$0x3000] =	vst v0  }
0x22: {  	[tilespmem:s25+$0x3010] =	vst v0  }
0x23: {  	[tilespmem:s25+$0x3020] =	vst v0  }
0x24: {  	[tilespmem:s25+$0x3030] =	vst v0  }
0x25: {  	[tilespmem:s25+$0x3040] =	vst v0  }
0x26: {  	[tilespmem:s25+$0x3050] =	vst v0  }
0x27: {  	[tilespmem:s25+$0x3060] =	vst v0  }
0x28: {  	[spmem:s7] =	stream.linear.scatter [tilespmem:s18], [sflag:$0x3], $0x4000, $0x38;
	[tilespmem:$0x1EC00] =	vst v63  }
0x29: {  	_ =	swait.ge [sflag:s19], $0x4000  }
0x2a: {  	[sflag:s19] =	ssyncset.done $0x0  }
0x2b: {  	s0 =	rddreg [dreg:$0x4];
	[sflag:s19] =	ssyncadd.s32 $0xFFFFC000  }
0x2c: {  	[spmem:s0] =	stream.linear.scatter [tilespmem:s18], [sflag:$0x3], $0x4000, $0x38;
	[tilespmem:$0x1EC00] =	vst v63  }
0x2d: {  	_ =	swait.ge [sflag:s19], $0x4000  }
0x2e: {  	[sflag:s19] =	ssyncset.done $0x0  }
0x2f: {  	s31 =	rddreg [dreg:$0x5];
	[sflag:s19] =	ssyncadd.s32 $0xFFFFC000  }
0x30: {  	[spmem:s31] =	stream.linear.scatter [tilespmem:s18], [sflag:$0x3], $0x4000, $0x38;
	[tilespmem:$0x1EC00] =	vst v63  }
0x31: {  	_ =	swait.ge [sflag:s19], $0x4000  }
0x32: {  	[sflag:s19] =	ssyncset.done $0x0  }
0x33: {  	[sflag:s19] =	ssyncadd.s32 $0xFFFFC000  }
0x34: {  	[spmem:s11] =	stream.linear.scatter [tilespmem:s18], [sflag:$0x3], $0x4000, $0x38;
	[tilespmem:$0x1EC00] =	vst v63  }
0x35: {  	_ =	swait.ge [sflag:s19], $0x4000  }
0x36: {  	[sflag:s19] =	ssyncset.done $0x0  }
.Ltmp2:
0x37: {  	[sflag:s19] =	ssyncadd.s32 $0xFFFFC000;
	(pc) =	sbr.rel .LBB2_6-.Ltmp2, $4  }
0x38: {  	[spmem:s12] =	stream.linear.scatter [tilespmem:s18], [sflag:$0x3], $0x3C00, $0x38;
	[tilespmem:$0x1EC00] =	vst v63  }
0x39: {  	_ =	swait.ge [sflag:s19], $0x3C00  }
0x3a: {  	[sflag:s19] =	ssyncset.done $0x0  }
0x3b: {  	[sflag:s19] =	ssyncadd.s32 $0xFFFFC400  }
.LBB2_2:
0x3c: {  	s0 =	sshll.u32 s2, $0x6  }
0x3d: {  	s25 =	sshrl.u32 s7, $0x3;
	s8 =	rddreg [dreg:$0x3];
	s0 =	sor.u32 $0x1C03, s0  }
0x3e: {  	[spmem:s25], [sflag:s0] =	dma.local [hbm:s8], $0x2780  }
0x3f: {  	_ =	swait.ge [sflag:s19], $0x2780  }
0x40: {  	[sflag:s19] =	ssyncset.done $0x0  }
0x41: {  	[sflag:s19] =	ssyncadd.s32 $0xFFFFD880  }
.LBB2_6:
0x42: {  	[bflag:$0x0] =	sbarrier.arrive $0xFFFF;
	s25 =	simm.s32 $0x0;
	p1 =	por $0x0, $0x0  }
.LBB2_7:
0x43: {  	p2 =	seq.s32 s25, $0x3;
	s0 =	sand.u32 $0x1, s25;
	s28 =	simm.s32 $0x1  }
0x44: {  	_ =	swait.ge [sflag:s20], $0x1400;
	s26 =	smul.u32 @!p2 $0x1800, s25;
	s29 =	sxor.u32 @!p2 $0x1, s0  }
0x45: {  	[sflag:s20] =	ssyncset.done $0x0;
	s28 =	simm.s32 @!p1 $0x0;
	s29 =	smul.u32 @!p2 $0x6000, s29  }
0x46: {  	s30 =	simm.s32 @!p2 $0x0;
	s28 =	smul.u32 $0x6000, s28;
	s26 =	sadd.s32 @!p2 s26, s13  }
0x47: {  	s0 =	smul.u32 $0x6000, s0;
	[sflag:s20] =	ssyncadd.s32 $0xFFFFEC00;
	s26 =	sshrl.u32 @!p2 s26, $0x3  }
0x48: {  	s29 =	sshrl.u32 @!p2 s29, $0x2;
	s9 =	sshrl.u32 s28, $0x2;
	s26 =	sadd.s32 @!p2 s5, s26  }
0x49: {  	[tilespmem:s29], [sflag:$0x1] =	stream.linear.gather @!p2 [hbm4b:s26+s30], $0xA00, $0x38;
	[tilespmem:$0x1EC00] =	vst v63  }
0x4a: {  	s28 =	simm.s32 $0x4000;
	s26 =	sadd.s32 @!p2 $0x180, s26;
	s29 =	sadd.s32 @!p2 $0xC00, s29  }
0x4b: {  	[tilespmem:s29], [sflag:$0x1] =	stream.linear.gather @!p2 [hbm4b:s26+s30], $0xA00, $0x38;
	[tilespmem:$0x1EC00] =	vst v63  }
0x4c: {  	s26 =	sshrl.u32 s0, $0x2;
	s0 =	sadd.s32 $0xC00, s9;
	s30 =	sand.u32 $0x4000, s28  }
0x4d: {  	[tilespmem:s18], [sflag:$0x2] =	stream.indirect.gather [hbm4b:s4+s21], $0x80, s26, s21, $0xb8;
	[tilespmem:$0x1EC00] =	vst v63  }
0x4e: {  	s28 =	sadd.s32 $0xFFFFF480, s0;
	s29 =	sor.u32 $0x3000, s30  }
0x4f: {  	[tilespmem:s29], [sflag:$0x2] =	stream.indirect.gather [hbm4b:s4+s21], $0x80, s28, s21, $0xb8;
	[tilespmem:$0x1EC00] =	vst v63  }
0x50: {  	_ =	swait.ge [sflag:s22], $0x4000  }
0x51: {  	s10 =	simm.s32 $0x8000;
	[sflag:s22] =	ssyncset.done $0x0  }
0x52: {  	s30 =	sxor.u32 $0x7000, s30;
	s28 =	sadd.s32 $0x80, s0;
	[sflag:s22] =	ssyncadd.s32 $0xFFFFC000  }
0x53: {  	[spmem:s1] =	stream.indirect.scatter.add.f32 [tilespmem:s30], [sflag:$0x3], $0x80, s0, s21, $0xb8;
	[tilespmem:$0x1EC00] =	vst v63  }
0x54: {  	s29 =	sadd.s32 $0xFFFFF480, s28;
	s31 =	sadd.s32 $0x80, s28;
	_ =	swait.ge [sflag:s19], $0x4000  }
0x55: {  	s30 =	simm.s32 $0x3;
	s0 =	sand.u32 $0x4000, s10;
	[sflag:s19] =	ssyncset.done $0x0  }
.LBB2_8:
0x56: {  	s8 =	sadd.s32 $0xFFFFF480, s31  }
0x57: {  	s9 =	sor.u32 $0x3000, s0;
	[sflag:s19] =	ssyncadd.s32 $0xFFFFC000;
	s10 =	smov.u32 s30  }
0x58: {  	[tilespmem:s9], [sflag:$0x2] =	stream.indirect.gather [hbm4b:s4+s21], $0x80, s29, s21, $0xb8;
	[tilespmem:$0x1EC00] =	vst v63  }
0x59: {  	p2 =	sne.s32 s30, $0x13;
	s30 =	sadd.s32 $0x1, s30;
	_ =	swait.ge [sflag:s22], $0x4000  }
.Ltmp3:
0x5a: {  	s29 =	smov.u32 s8;
	[sflag:s22] =	ssyncset.done $0x0;
	(pc) =	sbr.rel @p2 .LBB2_8-.Ltmp3, $4  }
0x5b: {  	s0 =	sxor.u32 $0x7000, s0;
	[sflag:s22] =	ssyncadd.s32 $0xFFFFC000  }
0x5c: {  	[spmem:s1] =	stream.indirect.scatter.add.f32 [tilespmem:s0], [sflag:$0x3], $0x80, s28, s21, $0xb8;
	[tilespmem:$0x1EC00] =	vst v63  }
0x5d: {  	s0 =	sshll.u32 s10, $0xE;
	s28 =	smov.u32 s31;
	_ =	swait.ge [sflag:s19], $0x4000  }
0x5e: {  	s31 =	sadd.s32 $0x80, s31;
	s0 =	sand.u32 $0x4000, s0;
	[sflag:s19] =	ssyncset.done $0x0  }
0x5f: {  	s8 =	sor.u32 $0x3000, s0;
	[sflag:s19] =	ssyncadd.s32 $0xFFFFC000  }
0x60: {  	[tilespmem:s8], [sflag:$0x2] =	stream.indirect.gather [hbm4b:s4+s21], $0x80, s29, s21, $0xb8;
	[tilespmem:$0x1EC00] =	vst v63  }
0x61: {  	_ =	swait.ge [sflag:s22], $0x4000  }
0x62: {  	[sflag:s22] =	ssyncset.done $0x0  }
0x63: {  	s30 =	sxor.u32 $0x7000, s0;
	[sflag:s22] =	ssyncadd.s32 $0xFFFFC000  }
0x64: {  	[spmem:s1] =	stream.indirect.scatter.add.f32 [tilespmem:s30], [sflag:$0x3], $0x80, s28, s21, $0xb8;
	[tilespmem:$0x1EC00] =	vst v63  }
0x65: {  	_ =	swait.ge [sflag:s19], $0x4000  }
0x66: {  	[sflag:s19] =	ssyncset.done $0x0  }
0x67: {  	[sflag:s19] =	ssyncadd.s32 $0xFFFFC000  }
0x68: {  	s25 =	sadd.s32 $0x1, s25;
	_ =	swait.ge [sflag:s22], $0x4000  }
0x69: {  	p2 =	sne.s32 s25, $0x4;
	[sflag:s22] =	ssyncset.done $0x0  }
.Ltmp4:
0x6a: {  	s31 =	sadd.s32 $0x1580, s26;
	[sflag:s22] =	ssyncadd.s32 $0xFFFFC000;
	(pc) =	sbr.rel @p2 .LBB2_7-.Ltmp4, $4  }
0x6b: {  	[spmem:s1] =	stream.indirect.scatter.add.f32 [tilespmem:s23], [sflag:$0x3], $0x80, s31, s21, $0xb8;
	[tilespmem:$0x1EC00] =	vst v63  }
0x6c: {  	_ =	swait.ge [sflag:s19], $0x4000  }
0x6d: {  	[sflag:s19] =	ssyncset.done $0x0  }
0x6e: {  	p1 =	por !p1, !p1;
	[sflag:s19] =	ssyncadd.s32 $0xFFFFC000  }
0x6f: {  	s24 =	sadd.s32 $0x1, s24  }
0x70: {  	s0 =	sshll.u32 s2, $0x6;
	[bflag:$0x0] =	sbarrier.arrive $0xFFFF;
	p1 =	sne.s32 s24, s15  }
.Ltmp5:
0x71: {  	s8 =	sshrl.u32 s7, $0x3;
	s0 =	sor.u32 $0x1C03, s0;
	(pc) =	sbr.rel @p1 .LBB2_1-.Ltmp5, $4  }
0x72: {  	[hbm:s14], [sflag:s0] =	dma.local [spmem:s8], $0x2780  }
0x73: {  	_ =	swait.ge [sflag:s19], $0x2780  }
0x74: {  	[sflag:s19] =	ssyncset.done $0x0  }
0x75: {  	[sflag:s19] =	ssyncadd.s32 $0xFFFFD880  }
0x76: {  	_ =	sfence.sel $0x180000  }
0x77: {  	[bflag:$0x0] =	sbarrier.arrive $0xFFFF  }
0x78: {  	_ =	strace $0x9000004D  }
0x79: {  	[bflag:$0x2] =	sbarrier.arrive $0xFFFF  }
0x7a: {  	p0 =	sne.s32 s2, $0x0;
	s0 =	rddreg [dreg:$0x2]  }
0x7b: {  	s0 =	sadd.s32 @!p0 $0x100000, s0  }
0x7c: {  	[sflag:s0] =	ssyncadd.tile.s32 @!p0 $0x1;
	_ =	shalt  }
.Lfunc_end2:
_tile_overlayer_lowered:
.L_overlay_start_2:
0x7d: {  	(tag) =	ssettag $0x2  }
0x7e: {  	s0 =	rddreg [dreg:$0x0];
	s2 =	stileid.u32  }
0x7f: {  	s1 =	rddreg [dreg:$0x1];
	p0 =	sne.s32 s2, $0x0  }
0x80: {  	s3 =	rddreg [dreg:$0x2];
	[bflag:$0x3] =	sbarrier.arrive $0xFFFF;
	s2 =	simm.s32 @!p0 $0x1C03  }
0x81: {  	[timem:s3], [sflag:s2] =	dma.local @!p0 [hbm:s0], s1  }
0x82: {  	s0 =	simm.s32 @!p0 $0x3  }
0x83: {  	_ =	swait.ge @!p0 [sflag:s0], s1  }
0x84: {  	s1 =	ssub.s32 @!p0 $0x0, s1;
	[sflag:s0] =	ssyncset.done @!p0 $0x0  }
0x85: {  	[sflag:s0] =	ssyncadd.s32 @!p0 s1  }
0x86: {  	[bflag:$0x3] =	sbarrier.arrive $0xFFFF  }
0x87: {  	_ =	shalt  }

// kernel: kernel.8.cloned.1.call-start
scs
__scs_entry_jumppad:
0x0: {  	(pc) =	sbr.rel $0x88, $3  }
0x1: {  	(tag) =	ssettag $0x0;
	lr =	simm.s32 $0x1  }
0x2: {  	[smem:$0x3F99] =	sst lr;
	_ =	strace $0xD0000000  }
0x3: {  	_ = 	snop  }
0x4: {  	_ = 	snop  }
0x5: {  	_ = 	snop  }
0x6: {  	_ = 	snop  }
0x7: {  	_ = 	snop  }
__scs_overlays_trampoline_lowered:
0x8: {  	[smem:$0x3FA8] =	sst s0  }
0x9: {  	[smem:$0x3FA9] =	sst s1  }
0xa: {  	[smem:$0x3FAA] =	sst s2  }
0xb: {  	[smem:$0x3FAB] =	sst s3  }
0xc: {  	[smem:$0x3FAC] =	sst s4  }
0xd: {  	[smem:$0x3FAD] =	sst s5  }
0xe: {  	[smem:$0x3FAE] =	sst s6  }
0xf: {  	[smem:$0x3FAF] =	sst s7  }
0x10: {  	[smem:$0x3FB0] =	sst s8  }
0x11: {  	[smem:$0x3FB1] =	sst s9;
	s0 =	simm.s32 @!p0 $0x0  }
0x12: {  	s1 =	sld [smem:$0x3F97];
	s0 =	simm.s32 @p0 $0x1  }
0x13: {  	[smem:$0x3FB2] =	sst s0;
	s0 =	simm.s32 @!p1 $0x0  }
0x14: {  	s2 =	sld [smem:$0x3F96];
	s0 =	simm.s32 @p1 $0x1  }
0x15: {  	[smem:$0x3FB3] =	sst s0;
	s0 =	simm.s32 @!p2 $0x0  }
0x16: {  	s3 =	sld [smem:$0x3FDB];
	s0 =	simm.s32 @p2 $0x1  }
0x17: {  	s4 =	simm.s32 $0x1BF5;
	[smem:$0x3FB5] =	sst s0  }
0x18: {  	s0 =	sld [smem:$0x3F98];
	_ =	swait.ge [sflag:s4], $0x0  }
0x19: {  	s7 =	sld [smem:$0x3F99]  }
0x1a: {  	s8 =	sadd.s32 $0xFFFFE003, lr  }
0x1b: {  	s9 =	sadd.s32 $0xFFFFFEF7, lr;
	s5 =	simm.s32 $0xFFFFFFFF;
	p2 =	slt.u32 s8, $0xFFFFF086  }
0x1c: {  	p1 =	slt.u32 s9, $0xF7A;
	s5 =	simm.s32 @!p2 $0x0  }
0x1d: {  	s5 =	simm.s32 @p1 $0x1;
	p0 =	seq.s32 s7, s2  }
0x1e: {  	s7 =	smul.u32 @!p0 $0xF7A, s2;
	p2 =	seq.s32 @!p0 s5, $0x0  }
0x1f: {  	s9 =	smul.u32 $0xF7A, s1;
	s8 =	simm.s32 @!p0 $0x1BF5;
	p2 =	por !p2, p0  }
0x20: {  	[sflag:s8] =	ssyncset.s32 @!p0 $0xFFFFF086;
	s6 =	sadd.s32 @!p0 s3, s7;
	s7 =	simm.s32 @!p0 $0x108  }
0x21: {  	s3 =	sadd.s32 s3, s9;
	s6 =	sadd.s32 @!p0 $0x88, s6;
	s7 =	simm.s32 @p2 $0x1082  }
0x22: {  	[simem:s7], [sflag:s8] =	dma.local @!p0 [hbm:s6], $0xF7A  }
0x23: {  	s9 =	sor.u32 $0xD0000000, s2;
	s6 =	simm.s32 $0x108;
	_ =	swait.ge @!p0 [sflag:s8], $0x0  }
0x24: {  	s3 =	sadd.s32 $0x88, s3;
	s6 =	simm.s32 @!p1 $0x1082;
	[sflag:s4] =	ssyncset.s32 $0xFFFFF086  }
0x25: {  	[simem:s6], [sflag:s4] =	dma.local [hbm:s3], $0xF7A  }
0x26: {  	[smem:$0x3F99] =	sst s1;
	(tag) =	ssettag s2;
	_ =	strace s9  }
0x27: {  	s1 =	sld [smem:$0x3FA9]  }
0x28: {  	s2 =	sld [smem:$0x3FAA]  }
0x29: {  	s4 =	sld [smem:$0x3FAC]  }
0x2a: {  	p0 =	seq.s32 s5, $0x0;
	s5 =	sld [smem:$0x3FAD]  }
0x2b: {  	s6 =	sld [smem:$0x3FAE]  }
0x2c: {  	s7 =	sld [smem:$0x3FAF]  }
0x2d: {  	s3 =	simm.s32 $0x108;
	s8 =	sld [smem:$0x3FB0]  }
0x2e: {  	s3 =	simm.s32 @!p0 $0x1082;
	s9 =	sld [smem:$0x3FB1]  }
0x2f: {  	lr =	sadd.s32 s0, s3;
	s0 =	sld [smem:$0x3FA8]  }
0x30: {  	s3 =	sld [smem:$0x3FAB]  }
0x31: {  	[smem:$0x3FB4] =	sst s10  }
0x32: {  	s10 =	sld [smem:$0x3FB2];
	_ =	sdelay $0x3  }
0x33: {  	p0 =	seq.s32 s10, $0x1;
	s10 =	sld [smem:$0x3FB4];
	_ =	sdelay $0x3  }
0x34: {  	[smem:$0x3FB4] =	sst s10  }
0x35: {  	s10 =	sld [smem:$0x3FB3];
	_ =	sdelay $0x3  }
0x36: {  	p1 =	seq.s32 s10, $0x1;
	s10 =	sld [smem:$0x3FB4];
	_ =	sdelay $0x3  }
0x37: {  	[smem:$0x3FB4] =	sst s10  }
0x38: {  	s10 =	sld [smem:$0x3FB5]  }
0x39: {  	_ = 	snop;
	(pc) =	sbr.ind lr, $3  }
0x3a: {  	_ = 	snop  }
0x3b: {  	_ = 	snop  }
0x3c: {  	p2 =	seq.s32 s10, $0x1;
	s10 =	sld [smem:$0x3FB4]  }
0x3d: {  	_ =	shalt  }
0x3e: {  	_ =	shalt  }
0x3f: {  	_ =	shalt  }
0x40: {  	_ =	shalt  }
0x41: {  	_ =	shalt  }
0x42: {  	_ =	shalt  }
0x43: {  	_ =	shalt  }
0x44: {  	_ =	shalt  }
0x45: {  	_ =	shalt  }
0x46: {  	_ =	shalt  }
0x47: {  	_ =	shalt  }
0x48: {  	_ =	shalt  }
0x49: {  	_ =	shalt  }
0x4a: {  	_ =	shalt  }
0x4b: {  	_ =	shalt  }
0x4c: {  	_ =	shalt  }
0x4d: {  	_ =	shalt  }
0x4e: {  	_ =	shalt  }
0x4f: {  	_ =	shalt  }
0x50: {  	_ =	shalt  }
0x51: {  	_ =	shalt  }
0x52: {  	_ =	shalt  }
0x53: {  	_ =	shalt  }
0x54: {  	_ =	shalt  }
0x55: {  	_ =	shalt  }
0x56: {  	_ =	shalt  }
0x57: {  	_ =	shalt  }
0x58: {  	_ =	shalt  }
0x59: {  	_ =	shalt  }
0x5a: {  	_ =	shalt  }
0x5b: {  	_ =	shalt  }
0x5c: {  	_ =	shalt  }
0x5d: {  	_ =	shalt  }
0x5e: {  	_ =	shalt  }
0x5f: {  	_ =	shalt  }
0x60: {  	_ =	shalt  }
0x61: {  	_ =	shalt  }
0x62: {  	_ =	shalt  }
0x63: {  	_ =	shalt  }
0x64: {  	_ =	shalt  }
0x65: {  	_ =	shalt  }
0x66: {  	_ =	shalt  }
0x67: {  	_ =	shalt  }
0x68: {  	_ =	shalt  }
0x69: {  	_ =	shalt  }
0x6a: {  	_ =	shalt  }
0x6b: {  	_ =	shalt  }
0x6c: {  	_ =	shalt  }
0x6d: {  	_ =	shalt  }
0x6e: {  	_ =	shalt  }
0x6f: {  	_ =	shalt  }
0x70: {  	_ =	shalt  }
0x71: {  	_ =	shalt  }
0x72: {  	_ =	shalt  }
0x73: {  	_ =	shalt  }
0x74: {  	_ =	shalt  }
0x75: {  	_ =	shalt  }
0x76: {  	_ =	shalt  }
0x77: {  	_ =	shalt  }
0x78: {  	_ =	shalt  }
0x79: {  	_ =	shalt  }
0x7a: {  	_ =	shalt  }
0x7b: {  	_ =	shalt  }
0x7c: {  	_ =	shalt  }
0x7d: {  	_ =	shalt  }
0x7e: {  	_ =	shalt  }
0x7f: {  	_ =	shalt  }
0x80: {  	_ =	shalt  }
0x81: {  	_ =	shalt  }
0x82: {  	_ =	shalt  }
0x83: {  	_ =	shalt  }
0x84: {  	_ =	shalt  }
0x85: {  	_ =	shalt  }
0x86: {  	_ =	shalt  }
0x87: {  	_ =	shalt  }
.Lfunc_end0:
.L_simem_size_0:
called_computation_lowered:
.L_overlay_start_0:
0x88: {  	s2 =	sld [smem:$0x3FD9]  }
0x89: {  	s3 =	sld [smem:$0x3FFE];
	_ =	sdelay $0x1  }
0x8a: {  	s1 =	srdreg.scid  }
0x8b: {  	s0 =	sand.u32 $0x1, s1  }
0x8c: {  	s17 =	sshll.u32 s0, $0xA;
	s2 =	sadd.s32 s3, s2  }
0x8d: {  	s2 =	sadd.s32 s2, s17  }
0x8e: {  	[smem:$0x3FC0] =	sst s2  }
0x8f: {  	_ = 	snop  }
0x90: {  	s2 =	sld [smem:$0x3FD0];
	(tm) =	ssettm $0x1  }
0x91: {  	s18 =	sld [smem:$0x3FFB];
	_ =	sdelay $0x3  }
0x92: {  	_ =	strace s18  }
0x93: {  	s3 =	sld [smem:$0x3FFC];
	_ =	sdelay $0x3  }
0x94: {  	_ =	strace s3  }
0x95: {  	s3 =	sld [smem:$0x3FFD];
	_ =	sdelay $0x3  }
0x96: {  	_ =	strace s3  }
0x97: {  	_ =	strace $0x8FFFFFFF  }
0x98: {  	s19 =	sld [smem:$0x3FDB];
	_ =	sdelay $0x1  }
0x99: {  	s4 =	simm.s32 $_scs_section_size  }
0x9a: {  	s5 =	simm.s32 $_size__tile_overlayer_lowered;
	s6 =	simm.s32 $_tile_overlayer_lowered  }
0x9b: {  	s22 =	simm.s32 $0x1BFF;
	s21 =	sshll.u32 s6, $0x1;
	s3 =	sadd.s32 s4, s19  }
0x9c: {  	s7 =	simm.s32 $0x0;
	s20 =	sshll.u32 s5, $0x1;
	s5 =	sadd.s32 s21, s3  }
0x9d: {  	[timem:s7], [sflag:s22] =	dma.local [hbm:s5], s20  }
0x9e: {  	_ =	swait.ge [sflag:s22], s20  }
0x9f: {  	s4 =	ssub.s32 $0x0, s20;
	[sflag:s22] =	ssyncset.done $0x0  }
0xa0: {  	[sflag:s22] =	ssyncadd.s32 s4;
	_ =	sdelay $0x1  }
0xa1: {  	s23 =	simm.s32 $0x1B8B  }
0xa2: {  	_ =	swait.ge [sflag:s23], $0x1  }
0xa3: {  	[sflag:s23] =	ssyncset.done $0x0  }
0xa4: {  	s25 =	simm.s32 $0x1B8E;
	s24 =	sld [smem:$0x3FFE];
	[sflag:s23] =	ssyncadd.s32 $0xFFFFFFFF  }
0xa5: {  	s26 =	simm.s32 $execute0_lowered;
	[smem:$0x3FD2] =	sst s25  }
0xa6: {  	s5 =	sshll.u32 s26, $0x1;
	_ =	strace $0x80000046;
	[dreg:$0x1] =	wrdreg $0xFFFFFFFF  }
0xa7: {  	s28 =	simm.s32 $_size_execute0_lowered;
	s3 =	sadd.s32 s3, s5;
	[dreg:$0x0] =	wrdreg $0x0  }
0xa8: {  	s5 =	sshll.u32 s28, $0x1;
	[dreg:$0x2] =	wrdreg s3  }
0xa9: {  	[dreg:$0x3] =	wrdreg s5  }
0xaa: {  	[dreg:$0x4] =	wrdreg $0xC0  }
0xab: {  	_ =	task [dreg:s7], $0x5FFFF  }
0xac: {  	[dreg:$0x1] =	wrdreg $0xFFFFFFFF  }
0xad: {  	[dreg:$0x0] =	wrdreg $0x60  }
0xae: {  	[dreg:$0x2] =	wrdreg s24  }
0xaf: {  	[dreg:$0x3] =	wrdreg s2  }
0xb0: {  	[dreg:$0x4] =	wrdreg $0xA8000  }
0xb1: {  	[dreg:$0x5] =	wrdreg $0x9  }
0xb2: {  	_ =	task.clear_ibuf [dreg:s7], $0x6FFFF;
	_ =	strace $0x90000046  }
0xb3: {  	s29 =	simm.s32 $0x9;
	_ =	strace $0x80000048  }
0xb4: {  	_ =	swait.ge [sflag:s29], $0x1  }
0xb5: {  	[sflag:s29] =	ssyncadd.s32 $0xFFFFFFFF  }
0xb6: {  	_ =	strace $0x90000048  }
0xb7: {  	_ =	sfence  }
0xb8: {  	s30 =	sld [smem:$0x0];
	_ =	sdelay $0x2  }
0xb9: {  	s31 =	sshll.u32 s1, $0xD;
	s1 =	sshrl.u32 s1, $0x2  }
0xba: {  	s3 =	sand.u32 $0x4000, s31;
	s1 =	sadd.s32 s1, s30  }
0xbb: {  	s0 =	sor.u32 s3, s0;
	s1 =	sshll.u32 s1, $0x11  }
0xbc: {  	s0 =	sor.u32 s1, s0  }
0xbd: {  	s0 =	sadd.s32 $0x8F2B, s0  }
0xbe: {  	[sflag:s0] =	ssyncadd.remote.s32 $0x1  }
0xbf: {  	_ =	sfence.sel $0xFFFF  }
0xc0: {  	[dreg:$0x0] =	wrdreg $0xFFFFFFFF;
	(pc) =	sbr.abs _section_cstart, $3  }
0xc1: {  	[dreg:$0x1] =	wrdreg $0xFFFFFFFF  }
0xc2: {  	_ =	task.clear_ibuf [dreg:s7], $0x2FFFF;
	_ =	strace $0x9FFFFFFF  }
0xc3: {  	(tm) =	ssettm $0x7FFFFFFF  }
tec
execute0_lowered:
.L_overlay_start_1:
0x0: {  	(tag) =	ssettag $0x1  }
0x1: {  	s1 =	srdreg.scid;
	s5 =	rddreg [dreg:$0x0]  }
0x2: {  	s0 =	stileid.u32;
	s2 =	rddreg [dreg:$0x1]  }
0x3: {  	s3 =	rddreg [dreg:$0x2];
	s4 =	simm.s32 $0x0;
	s14 =	simm.s32 $0x2  }
0x4: {  	s15 =	simm.s32 $0x2800;
	s16 =	simm.s32 $0x80;
	s17 =	simm.s32 $0x1  }
0x5: {  	s6 =	sand.u32 $0x1, s1;
	s28 =	sshll.u32 s0, $0x1;
	s9 =	smul.u32 $0x13C00, s0  }
0x6: {  	[smem:$0x7FF] =	sst s4;
	s10 =	smul.u32 $0x4F000, s0;
	s18 =	sshll.u32 s0, $0x6  }
0x7: {  	s1 =	sor.u32 s6, s28;
	s8 =	smul.u32 $0x13C000, s6;
	s6 =	ssub.s32 $0x2, s6  }
0x8: {  	s18 =	sor.u32 $0x1C02, s18;
	s7 =	smul.u32 $0x500, s1;
	s1 =	rddreg [dreg:$0x3]  }
0x9: {  	_ =	strace $0x80000047;
	s30 =	sshrl.u32 s6, $0x1;
	s29 =	sadd.s32 s9, s8  }
0xa: {  	s31 =	sshrl.u32 s10, $0x2;
	s11 =	sadd.s32 s7, s5;
	s7 =	sshrl.u32 s29, $0x3  }
0xb: {  	s13 =	ssub.s32 s6, s30;
	s12 =	sadd.s32 s7, s5;
	s5 =	sadd.s32 s31, s3  }
0xc: {  	s10 =	sadd.s32 $0x2600, s11;
	s6 =	sadd.s32 $0x4000, s5;
	s7 =	sadd.s32 $0x8000, s5  }
0xd: {  	s8 =	sadd.s32 $0xC000, s5;
	s9 =	sadd.s32 $0x10000, s5;
	s11 =	sadd.s32 $0xC600, s12  }
0xe: {  	v0 =	vimm.f32 $0.0e+00;
	s12 =	smax.u32 s13, $0x1;
	s13 =	simm.s32 $0x6800;
	s19 =	sshrl.u32 s5, $0x3  }
.LBB2_1:
0xf: {  	s20 =	simm.s32 $0x0;
	s21 =	simm.s32 $0x200  }
.LBB2_2:
0x10: {  	p0 =	sne.s32 s21, $0xFE00;
	[tilespmem:s20+$0x6870] =	vst v0  }
0x11: {  	[tilespmem:s20+$0x6800] =	vst v0  }
0x12: {  	[tilespmem:s20+$0x6810] =	vst v0  }
.Ltmp0:
0x13: {  	[tilespmem:s20+$0x6820] =	vst v0;
	(pc) =	sbr.rel @p0 .LBB2_2-.Ltmp0, $4  }
0x14: {  	[tilespmem:s20+$0x6830] =	vst v0  }
0x15: {  	[tilespmem:s20+$0x6840] =	vst v0  }
0x16: {  	[tilespmem:s20+$0x6850] =	vst v0  }
0x17: {  	[tilespmem:s20+$0x6860] =	vst v0;
	s20 =	sshra.s32 s21, $0x2;
	s21 =	sadd.s32 $0x200, s21  }
0x18: {  	[tilespmem:s20+$0x6870] =	vst v0  }
0x19: {  	[tilespmem:s20+$0x6800] =	vst v0  }
0x1a: {  	[tilespmem:s20+$0x6810] =	vst v0  }
0x1b: {  	[tilespmem:s20+$0x6820] =	vst v0  }
0x1c: {  	[tilespmem:s20+$0x6830] =	vst v0  }
0x1d: {  	[tilespmem:s20+$0x6840] =	vst v0  }
0x1e: {  	[tilespmem:s20+$0x6850] =	vst v0  }
0x1f: {  	[tilespmem:s20+$0x6860] =	vst v0  }
0x20: {  	[spmem:s5] =	stream.linear.scatter [tilespmem:s13], [sflag:$0x2], $0x4000, $0x38;
	[tilespmem:$0x1E400] =	vst v63  }
0x21: {  	_ =	swait.ge [sflag:s14], $0x4000  }
0x22: {  	[sflag:s14] =	ssyncset.done $0x0  }
0x23: {  	[sflag:s14] =	ssyncadd.s32 $0xFFFFC000  }
0x24: {  	[spmem:s6] =	stream.linear.scatter [tilespmem:s13], [sflag:$0x2], $0x4000, $0x38;
	[tilespmem:$0x1E400] =	vst v63  }
0x25: {  	_ =	swait.ge [sflag:s14], $0x4000  }
0x26: {  	[sflag:s14] =	ssyncset.done $0x0  }
0x27: {  	[sflag:s14] =	ssyncadd.s32 $0xFFFFC000  }
0x28: {  	[spmem:s7] =	stream.linear.scatter [tilespmem:s13], [sflag:$0x2], $0x4000, $0x38;
	[tilespmem:$0x1E400] =	vst v63  }
0x29: {  	_ =	swait.ge [sflag:s14], $0x4000  }
0x2a: {  	[sflag:s14] =	ssyncset.done $0x0  }
0x2b: {  	[sflag:s14] =	ssyncadd.s32 $0xFFFFC000  }
0x2c: {  	[spmem:s8] =	stream.linear.scatter [tilespmem:s13], [sflag:$0x2], $0x4000, $0x38;
	[tilespmem:$0x1E400] =	vst v63  }
0x2d: {  	_ =	swait.ge [sflag:s14], $0x4000  }
0x2e: {  	[sflag:s14] =	ssyncset.done $0x0  }
0x2f: {  	[sflag:s14] =	ssyncadd.s32 $0xFFFFC000  }
0x30: {  	[spmem:s9] =	stream.linear.scatter [tilespmem:s13], [sflag:$0x2], $0x3C00, $0x38;
	[tilespmem:$0x1E400] =	vst v63  }
0x31: {  	_ =	swait.ge [sflag:s14], $0x3C00  }
0x32: {  	[sflag:s14] =	ssyncset.done $0x0  }
0x33: {  	s20 =	simm.s32 $0x0;
	[sflag:s14] =	ssyncadd.s32 $0xFFFFC400  }
0x34: {  	[tilespmem:s15], [sflag:$0x2] =	stream.linear.gather [hbm4b:s2+s20], $0x4000, $0x38;
	[tilespmem:$0x1E400] =	vst v63  }
0x35: {  	_ =	swait.ge [sflag:s14], $0x4000  }
0x36: {  	[sflag:s14] =	ssyncset.done $0x0  }
0x37: {  	[sflag:s14] =	ssyncadd.s32 $0xFFFFC000  }
0x38: {  	[tilespmem:s20], [sflag:$0x2] =	stream.linear.gather [hbm4b:s10+s20], $0x2800, $0x38;
	[tilespmem:$0x1E400] =	vst v63  }
0x39: {  	_ =	swait.ge [sflag:s14], $0x2800  }
0x3a: {  	[sflag:s14] =	ssyncset.done $0x0  }
0x3b: {  	[sflag:s14] =	ssyncadd.s32 $0xFFFFD800  }
0x3c: {  	[bflag:$0x0] =	sbarrier.arrive $0xFFFF  }
.LBB2_4:
0x3d: {  	p0 =	sne.s32 s20, $0x9E00  }
.Ltmp1:
0x3e: {  	_ = 	snop;
	(pc) =	sbr.rel @p0 .LBB2_4-.Ltmp1, $3  }
0x3f: {  	_ =	sdelay $0x1  }
0x40: {  	s21 =	sshra.s32 s20, $0x2;
	s20 =	sadd.s32 $0x200, s20  }
0x41: {  	[spmem:s3] =	stream.indirect.scatter.add.f32 [tilespmem:s15], [sflag:$0x1], $0x80, s21, s16, $0xb8;
	[tilespmem:$0x1E400] =	vst v63  }
0x42: {  	_ =	swait.ge [sflag:s17], $0x4000  }
0x43: {  	s20 =	simm.s32 $0x4F;
	[sflag:s17] =	ssyncset.done $0x0  }
.LBB2_6:
0x44: {  	p0 =	sne.s32 s20, $0x1;
	s20 =	sadd.s32 $0xFFFFFFFF, s20;
	[sflag:s17] =	ssyncadd.s32 $0xFFFFC000  }
.Ltmp2:
0x45: {  	(pc) =	sbr.rel @p0 .LBB2_6-.Ltmp2, $3  }
0x46: {  	_ =	sdelay $0x1  }
0x47: {  	_ =	swait.ge [sflag:s17], $0x4000  }
0x48: {  	[sflag:s17] =	ssyncset.done $0x0  }
0x49: {  	s4 =	sadd.s32 $0x1, s4  }
0x4a: {  	[sflag:s17] =	ssyncadd.s32 $0xFFFFC000;
	p0 =	sne.s32 s4, s12  }
.Ltmp3:
0x4b: {  	[bflag:$0x0] =	sbarrier.arrive $0xFFFF;
	(pc) =	sbr.rel @p0 .LBB2_1-.Ltmp3, $4  }
0x4c: {  	[hbm:s11], [sflag:s18] =	dma.local [spmem:s19], $0x2780  }
0x4d: {  	_ =	swait.ge [sflag:s14], $0x2780  }
0x4e: {  	[sflag:s14] =	ssyncset.done $0x0  }
0x4f: {  	[sflag:s14] =	ssyncadd.s32 $0xFFFFD880  }
0x50: {  	_ =	sfence.sel $0x180000  }
0x51: {  	[bflag:$0x0] =	sbarrier.arrive $0xFFFF  }
0x52: {  	p0 =	sne.s32 s0, $0x0;
	_ =	strace $0x90000047  }
0x53: {  	s0 =	sadd.s32 @!p0 $0x100000, s1;
	[bflag:$0x2] =	sbarrier.arrive $0xFFFF  }
0x54: {  	[sflag:s0] =	ssyncadd.tile.s32 @!p0 $0x1;
	_ =	shalt  }
.Lfunc_end2:
_tile_overlayer_lowered:
.L_overlay_start_2:
0x55: {  	(tag) =	ssettag $0x2  }
0x56: {  	s0 =	rddreg [dreg:$0x0];
	s2 =	stileid.u32  }
0x57: {  	s1 =	rddreg [dreg:$0x1];
	p0 =	sne.s32 s2, $0x0  }
0x58: {  	s3 =	rddreg [dreg:$0x2];
	[bflag:$0x3] =	sbarrier.arrive $0xFFFF;
	s2 =	simm.s32 @!p0 $0x1C02  }
0x59: {  	[timem:s3], [sflag:s2] =	dma.local @!p0 [hbm:s0], s1  }
0x5a: {  	s0 =	simm.s32 @!p0 $0x2  }
0x5b: {  	_ =	swait.ge @!p0 [sflag:s0], s1  }
0x5c: {  	s1 =	ssub.s32 @!p0 $0x0, s1;
	[sflag:s0] =	ssyncset.done @!p0 $0x0  }
0x5d: {  	[sflag:s0] =	ssyncadd.s32 @!p0 s1  }
0x5e: {  	[bflag:$0x3] =	sbarrier.arrive $0xFFFF  }
0x5f: {  	_ =	shalt  }

</sc_bundles>
